<compile_context>
chip_gen: v7x
topology: tpu7x:2x2x1
jax: 0.10.2.dev20260603
libtpu: 0.0.44.dev20260713+nightly
codegen_flags: <defaults>
</compile_context>

<pallas_src>
import jax
import jax.numpy as jnp
from jax import lax
from jax.experimental import pallas as pl
from jax.experimental.pallas import tpu as pltpu
from jax.experimental.pallas import tpu_sc as plsc

N = 10000
E = 320000
D = 128

NT = 16
N_PAD = 10240
SLICE = N_PAD // NT
EC = E // NT
FULL_ROWS = EC // 128
TAIL = EC - FULL_ROWS * 128


def _matvec_body(w_ref, x_ref, o_ref):
    o_ref[...] = lax.dot_general(
        w_ref[...], x_ref[...], (((1,), (1,)), ((), ())))


def _propagate_body(y_hbm, e_hbm, w_hbm, out_hbm,
                    src_v, dst_v, w_v, msg_v, y_v, zer_v, acc1, acc2, sem):
    t = lax.axis_index("s")

    pltpu.sync_copy(e_hbm.at[0, t], src_v)
    pltpu.sync_copy(e_hbm.at[1, t], dst_v)
    pltpu.sync_copy(w_hbm.at[t], w_v)
    pltpu.sync_copy(y_hbm.at[0], y_v)

    for i in range(SLICE // 16):
        zer_v[pl.ds(i * 16, 16)] = jnp.zeros((16,), jnp.float32)
    pltpu.sync_copy(zer_v, acc1.at[pl.ds(t * SLICE, SLICE)])
    pltpu.sync_copy(zer_v, acc2.at[pl.ds(t * SLICE, SLICE)])
    plsc.subcore_barrier()

    def do_round(acc):
        def row(r, _):
            base = r * 128
            for c in range(8):
                s16 = src_v[pl.ds(base + c * 16, 16)]
                w16 = w_v[pl.ds(base + c * 16, 16)]
                g16 = plsc.load_gather(y_v, [s16])
                msg_v[pl.ds(base + c * 16, 16)] = w16 * g16
            pltpu.async_copy(msg_v.at[pl.ds(base, 128)],
                             acc.at[dst_v.at[pl.ds(base, 128)]], sem,
                             add=True)
            return 0
        lax.fori_loop(0, FULL_ROWS, row, 0)

        tb = FULL_ROWS * 128
        for c in range(TAIL // 16):
            s16 = src_v[pl.ds(tb + c * 16, 16)]
            w16 = w_v[pl.ds(tb + c * 16, 16)]
            g16 = plsc.load_gather(y_v, [s16])
            msg_v[pl.ds(tb + c * 16, 16)] = w16 * g16
        pltpu.async_copy(msg_v.at[pl.ds(tb, TAIL)],
                         acc.at[dst_v.at[pl.ds(tb, TAIL)]], sem, add=True)

        def drain(r, _):
            pltpu.make_async_copy(msg_v.at[pl.ds(r * 128, 128)],
                                  acc.at[dst_v.at[pl.ds(r * 128, 128)]],
                                  sem).wait()
            return 0
        lax.fori_loop(0, FULL_ROWS, drain, 0)
        pltpu.make_async_copy(msg_v.at[pl.ds(tb, TAIL)],
                              acc.at[dst_v.at[pl.ds(tb, TAIL)]],
                              sem).wait()

    do_round(acc1)
    plsc.subcore_barrier()

    pltpu.sync_copy(acc1, y_v)
    do_round(acc2)
    plsc.subcore_barrier()

    pltpu.sync_copy(acc2.at[pl.ds(t * SLICE, SLICE)],
                    out_hbm.at[pl.ds(t * SLICE, SLICE)])


def kernel(x, edge_index, edge_weight, W, b):
    y_pad = pl.pallas_call(
        _matvec_body,
        grid=(N_PAD // 1024,),
        in_specs=[
            pl.BlockSpec((1, D), lambda i: (0, 0)),
            pl.BlockSpec((1024, D), lambda i: (i, 0)),
        ],
        out_specs=pl.BlockSpec((1, 1024), lambda i: (0, i)),
        out_shape=jax.ShapeDtypeStruct((1, N_PAD), jnp.float32),
    )(W, x)

    e3 = edge_index.reshape(2, NT, EC)
    w2 = edge_weight.reshape(NT, EC)

    mesh = plsc.VectorSubcoreMesh(
        core_axis_name="c", subcore_axis_name="s", num_cores=1)
    propagate = pl.kernel(
        _propagate_body,
        out_type=jax.ShapeDtypeStruct((N_PAD,), jnp.float32),
        mesh=mesh,
        scratch_types=[
            pltpu.VMEM((EC,), jnp.int32),
            pltpu.VMEM((EC,), jnp.int32),
            pltpu.VMEM((EC,), jnp.float32),
            pltpu.VMEM((EC,), jnp.float32),
            pltpu.VMEM((N_PAD,), jnp.float32),
            pltpu.VMEM((SLICE,), jnp.float32),
            pltpu.VMEM_SHARED((N_PAD,), jnp.float32),
            pltpu.VMEM_SHARED((N_PAD,), jnp.float32),
            pltpu.SemaphoreType.DMA,
        ],
        compiler_params=pltpu.CompilerParams(needs_layout_passes=False),
    )
    y2 = propagate(y_pad, e3, w2)

    return y2[:N, None] + b

# --- scband reference (transcript-rebuilt; emitter-appended) ---
"""Pipeline reference for scband-sgc-valuator-48979807043736 (READ-ONLY COPY).

The authoritative reference and input builder live on the scoring server;
editing this copy changes nothing except your own understanding.
"""

import jax, jax.numpy as jnp
import numpy as np

N = 10000
E = 320000
D = 128

def setup_inputs(seed: int = 0) -> dict:
    key = jax.random.key(seed)
    k1, k2, k3, k4 = jax.random.split(key, 4)
    x = jax.random.normal(k1, (N, D), dtype=jnp.float32)
    edge_index = jax.random.randint(k2, (2, E), 0, N, dtype=jnp.int32)
    edge_weight = jax.random.uniform(k3, (E,), dtype=jnp.float32)
    # Learned params of nn.Linear(nfeat=128, 1)
    W = jax.random.normal(k4, (1, D), dtype=jnp.float32) * 0.05
    b = jnp.zeros((1,), dtype=jnp.float32)
    return {"x": x, "edge_index": edge_index, "edge_weight": edge_weight, "W": W, "b": b}

def reference(x, edge_index, edge_weight, W, b):
    # adj is a sparse [N, N] matrix in COO form: adj[dst, src] = edge_weight
    # preprocess: x = spmm(adj, x) applied degree=2 times
    src = edge_index[0]
    dst = edge_index[1]
    h = x
    for _ in range(2):
        msg = edge_weight[:, None] * jnp.take(h, src, axis=0)   # gather
        h = jax.ops.segment_sum(msg, dst, num_segments=N)       # scatter-add
    # final linear layer: Linear(nfeat, 1)
    return h @ W.T + b

if __name__ == "__main__":
    import jax
    _d = setup_inputs()
    print(jax.jit(kernel)(*tuple(_d.values())))

</pallas_src>

<mosaic_0001>
#map = affine_map<(d0, d1) -> (0, 0)>
#map1 = affine_map<(d0, d1) -> (0, 0, 0)>
#map2 = affine_map<(d0, d1) -> (0)>
module attributes {stable_mosaic.version = 14 : i64} {
  func.func @_propagate_body(%arg0: i32, %arg1: i32, %arg2: memref<1x10240xf32, #tpu.memory_space<hbm>>, %arg3: memref<2x16x20000xi32, #tpu.memory_space<hbm>>, %arg4: memref<16x20000xf32, #tpu.memory_space<hbm>>, %arg5: memref<10240xf32, #tpu.memory_space<hbm>>, %arg6: memref<20000xi32, #tpu.memory_space<vmem>>, %arg7: memref<20000xi32, #tpu.memory_space<vmem>>, %arg8: memref<20000xf32, #tpu.memory_space<vmem>>, %arg9: memref<20000xf32, #tpu.memory_space<vmem>>, %arg10: memref<10240xf32, #tpu.memory_space<vmem>>, %arg11: memref<640xf32, #tpu.memory_space<vmem>>, %arg12: memref<10240xf32, #tpu.memory_space<vmem_shared>>, %arg13: memref<10240xf32, #tpu.memory_space<vmem_shared>>, %arg14: memref<!tpu.dma_semaphore, #tpu.memory_space<semaphore_mem>>) attributes {dimension_semantics = [#tpu.dimension_semantics<core_parallel>, #tpu.dimension_semantics<subcore_parallel>], iteration_bounds = array<i64: 1, 16>, scalar_prefetch = 0 : i64, scratch_operands = 9 : i64, tpu.core_type = #tpu.core_type<sc_vector_subcore>, window_params = [{transform_indices = #map}, {transform_indices = #map1}, {transform_indices = #map}, {transform_indices = #map2}]} {
    %run_scoped3A = arith.constant 0 : i32
    "tpu.region"() ({
      %run_scoped3A_248 = tpu.sem_alloc : memref<!tpu.dma_semaphore, #tpu.memory_space<semaphore_mem>>
      %dma_start3A_249 = arith.constant 0 : i32
      %dma_start3A_250 = tpu.memref_slice %arg3[%run_scoped3A, %arg1, %dma_start3A_249] : memref<2x16x20000xi32, #tpu.memory_space<hbm>> -> memref<1x1x20000xi32, #tpu.memory_space<hbm>>
      %dma_start3A_251 = tpu.memref_squeeze %dma_start3A_250 : memref<1x1x20000xi32, #tpu.memory_space<hbm>> -> memref<20000xi32, #tpu.memory_space<hbm>>
      %dma_start3A_252 = arith.constant 0 : i32
      %dma_start3A_253 = tpu.memref_slice %arg3[%run_scoped3A, %arg1, %dma_start3A_252] : memref<2x16x20000xi32, #tpu.memory_space<hbm>> -> memref<1x1x20000xi32, #tpu.memory_space<hbm>>
      %dma_start3A_254 = tpu.memref_squeeze %dma_start3A_253 : memref<1x1x20000xi32, #tpu.memory_space<hbm>> -> memref<20000xi32, #tpu.memory_space<hbm>>
      tpu.enqueue_dma source(%dma_start3A_254 : memref<20000xi32, #tpu.memory_space<hbm>>) target(%arg6 : memref<20000xi32, #tpu.memory_space<vmem>>) target_semaphore(%run_scoped3A_248 : memref<!tpu.dma_semaphore, #tpu.memory_space<semaphore_mem>>)
      %dma_wait3A_255 = arith.constant 0 : i32
      %dma_wait3A_256 = tpu.memref_slice %arg3[%run_scoped3A, %arg1, %dma_wait3A_255] : memref<2x16x20000xi32, #tpu.memory_space<hbm>> -> memref<1x1x20000xi32, #tpu.memory_space<hbm>>
      %dma_wait3A_257 = tpu.memref_squeeze %dma_wait3A_256 : memref<1x1x20000xi32, #tpu.memory_space<hbm>> -> memref<20000xi32, #tpu.memory_space<hbm>>
      %dma_wait3A_258 = arith.constant 0 : i32
      %dma_wait3A_259 = tpu.memref_slice %arg3[%run_scoped3A, %arg1, %dma_wait3A_258] : memref<2x16x20000xi32, #tpu.memory_space<hbm>> -> memref<1x1x20000xi32, #tpu.memory_space<hbm>>
      %dma_wait3A_260 = tpu.memref_squeeze %dma_wait3A_259 : memref<1x1x20000xi32, #tpu.memory_space<hbm>> -> memref<20000xi32, #tpu.memory_space<hbm>>
      tpu.wait_dma2 semaphore(%run_scoped3A_248 : memref<!tpu.dma_semaphore, #tpu.memory_space<semaphore_mem>>) src(%dma_wait3A_260 : memref<20000xi32, #tpu.memory_space<hbm>>) dst(%arg6 : memref<20000xi32, #tpu.memory_space<vmem>>)
      tpu.yield
    }) : () -> ()
    %run_scoped3A_0 = arith.constant 1 : i32
    "tpu.region"() ({
      %run_scoped3A_248 = tpu.sem_alloc : memref<!tpu.dma_semaphore, #tpu.memory_space<semaphore_mem>>
      %dma_start3A_249 = arith.constant 0 : i32
      %dma_start3A_250 = tpu.memref_slice %arg3[%run_scoped3A_0, %arg1, %dma_start3A_249] : memref<2x16x20000xi32, #tpu.memory_space<hbm>> -> memref<1x1x20000xi32, #tpu.memory_space<hbm>>
      %dma_start3A_251 = tpu.memref_squeeze %dma_start3A_250 : memref<1x1x20000xi32, #tpu.memory_space<hbm>> -> memref<20000xi32, #tpu.memory_space<hbm>>
      %dma_start3A_252 = arith.constant 0 : i32
      %dma_start3A_253 = tpu.memref_slice %arg3[%run_scoped3A_0, %arg1, %dma_start3A_252] : memref<2x16x20000xi32, #tpu.memory_space<hbm>> -> memref<1x1x20000xi32, #tpu.memory_space<hbm>>
      %dma_start3A_254 = tpu.memref_squeeze %dma_start3A_253 : memref<1x1x20000xi32, #tpu.memory_space<hbm>> -> memref<20000xi32, #tpu.memory_space<hbm>>
      tpu.enqueue_dma source(%dma_start3A_254 : memref<20000xi32, #tpu.memory_space<hbm>>) target(%arg7 : memref<20000xi32, #tpu.memory_space<vmem>>) target_semaphore(%run_scoped3A_248 : memref<!tpu.dma_semaphore, #tpu.memory_space<semaphore_mem>>)
      %dma_wait3A_255 = arith.constant 0 : i32
      %dma_wait3A_256 = tpu.memref_slice %arg3[%run_scoped3A_0, %arg1, %dma_wait3A_255] : memref<2x16x20000xi32, #tpu.memory_space<hbm>> -> memref<1x1x20000xi32, #tpu.memory_space<hbm>>
      %dma_wait3A_257 = tpu.memref_squeeze %dma_wait3A_256 : memref<1x1x20000xi32, #tpu.memory_space<hbm>> -> memref<20000xi32, #tpu.memory_space<hbm>>
      %dma_wait3A_258 = arith.constant 0 : i32
      %dma_wait3A_259 = tpu.memref_slice %arg3[%run_scoped3A_0, %arg1, %dma_wait3A_258] : memref<2x16x20000xi32, #tpu.memory_space<hbm>> -> memref<1x1x20000xi32, #tpu.memory_space<hbm>>
      %dma_wait3A_260 = tpu.memref_squeeze %dma_wait3A_259 : memref<1x1x20000xi32, #tpu.memory_space<hbm>> -> memref<20000xi32, #tpu.memory_space<hbm>>
      tpu.wait_dma2 semaphore(%run_scoped3A_248 : memref<!tpu.dma_semaphore, #tpu.memory_space<semaphore_mem>>) src(%dma_wait3A_260 : memref<20000xi32, #tpu.memory_space<hbm>>) dst(%arg7 : memref<20000xi32, #tpu.memory_space<vmem>>)
      tpu.yield
    }) : () -> ()
    "tpu.region"() ({
      %run_scoped3A_248 = tpu.sem_alloc : memref<!tpu.dma_semaphore, #tpu.memory_space<semaphore_mem>>
      %dma_start3A_249 = arith.constant 0 : i32
      %dma_start3A_250 = tpu.memref_slice %arg4[%arg1, %dma_start3A_249] : memref<16x20000xf32, #tpu.memory_space<hbm>> -> memref<1x20000xf32, #tpu.memory_space<hbm>>
      %dma_start3A_251 = tpu.memref_squeeze %dma_start3A_250 : memref<1x20000xf32, #tpu.memory_space<hbm>> -> memref<20000xf32, #tpu.memory_space<hbm>>
      %dma_start3A_252 = arith.constant 0 : i32
      %dma_start3A_253 = tpu.memref_slice %arg4[%arg1, %dma_start3A_252] : memref<16x20000xf32, #tpu.memory_space<hbm>> -> memref<1x20000xf32, #tpu.memory_space<hbm>>
      %dma_start3A_254 = tpu.memref_squeeze %dma_start3A_253 : memref<1x20000xf32, #tpu.memory_space<hbm>> -> memref<20000xf32, #tpu.memory_space<hbm>>
      tpu.enqueue_dma source(%dma_start3A_254 : memref<20000xf32, #tpu.memory_space<hbm>>) target(%arg8 : memref<20000xf32, #tpu.memory_space<vmem>>) target_semaphore(%run_scoped3A_248 : memref<!tpu.dma_semaphore, #tpu.memory_space<semaphore_mem>>)
      %dma_wait3A_255 = arith.constant 0 : i32
      %dma_wait3A_256 = tpu.memref_slice %arg4[%arg1, %dma_wait3A_255] : memref<16x20000xf32, #tpu.memory_space<hbm>> -> memref<1x20000xf32, #tpu.memory_space<hbm>>
      %dma_wait3A_257 = tpu.memref_squeeze %dma_wait3A_256 : memref<1x20000xf32, #tpu.memory_space<hbm>> -> memref<20000xf32, #tpu.memory_space<hbm>>
      %dma_wait3A_258 = arith.constant 0 : i32
      %dma_wait3A_259 = tpu.memref_slice %arg4[%arg1, %dma_wait3A_258] : memref<16x20000xf32, #tpu.memory_space<hbm>> -> memref<1x20000xf32, #tpu.memory_space<hbm>>
      %dma_wait3A_260 = tpu.memref_squeeze %dma_wait3A_259 : memref<1x20000xf32, #tpu.memory_space<hbm>> -> memref<20000xf32, #tpu.memory_space<hbm>>
      tpu.wait_dma2 semaphore(%run_scoped3A_248 : memref<!tpu.dma_semaphore, #tpu.memory_space<semaphore_mem>>) src(%dma_wait3A_260 : memref<20000xf32, #tpu.memory_space<hbm>>) dst(%arg8 : memref<20000xf32, #tpu.memory_space<vmem>>)
      tpu.yield
    }) : () -> ()
    %run_scoped3A_1 = arith.constant 0 : i32
    "tpu.region"() ({
      %run_scoped3A_248 = tpu.sem_alloc : memref<!tpu.dma_semaphore, #tpu.memory_space<semaphore_mem>>
      %dma_start3A_249 = arith.constant 0 : i32
      %dma_start3A_250 = tpu.memref_slice %arg2[%run_scoped3A_1, %dma_start3A_249] : memref<1x10240xf32, #tpu.memory_space<hbm>> -> memref<1x10240xf32, #tpu.memory_space<hbm>>
      %dma_start3A_251 = tpu.memref_squeeze %dma_start3A_250 : memref<1x10240xf32, #tpu.memory_space<hbm>> -> memref<10240xf32, #tpu.memory_space<hbm>>
      %dma_start3A_252 = arith.constant 0 : i32
      %dma_start3A_253 = tpu.memref_slice %arg2[%run_scoped3A_1, %dma_start3A_252] : memref<1x10240xf32, #tpu.memory_space<hbm>> -> memref<1x10240xf32, #tpu.memory_space<hbm>>
      %dma_start3A_254 = tpu.memref_squeeze %dma_start3A_253 : memref<1x10240xf32, #tpu.memory_space<hbm>> -> memref<10240xf32, #tpu.memory_space<hbm>>
      tpu.enqueue_dma source(%dma_start3A_254 : memref<10240xf32, #tpu.memory_space<hbm>>) target(%arg10 : memref<10240xf32, #tpu.memory_space<vmem>>) target_semaphore(%run_scoped3A_248 : memref<!tpu.dma_semaphore, #tpu.memory_space<semaphore_mem>>)
      %dma_wait3A_255 = arith.constant 0 : i32
      %dma_wait3A_256 = tpu.memref_slice %arg2[%run_scoped3A_1, %dma_wait3A_255] : memref<1x10240xf32, #tpu.memory_space<hbm>> -> memref<1x10240xf32, #tpu.memory_space<hbm>>
      %dma_wait3A_257 = tpu.memref_squeeze %dma_wait3A_256 : memref<1x10240xf32, #tpu.memory_space<hbm>> -> memref<10240xf32, #tpu.memory_space<hbm>>
      %dma_wait3A_258 = arith.constant 0 : i32
      %dma_wait3A_259 = tpu.memref_slice %arg2[%run_scoped3A_1, %dma_wait3A_258] : memref<1x10240xf32, #tpu.memory_space<hbm>> -> memref<1x10240xf32, #tpu.memory_space<hbm>>
      %dma_wait3A_260 = tpu.memref_squeeze %dma_wait3A_259 : memref<1x10240xf32, #tpu.memory_space<hbm>> -> memref<10240xf32, #tpu.memory_space<hbm>>
      tpu.wait_dma2 semaphore(%run_scoped3A_248 : memref<!tpu.dma_semaphore, #tpu.memory_space<semaphore_mem>>) src(%dma_wait3A_260 : memref<10240xf32, #tpu.memory_space<hbm>>) dst(%arg10 : memref<10240xf32, #tpu.memory_space<vmem>>)
      tpu.yield
    }) : () -> ()
    %broadcast_in_dim3A = arith.constant 0.000000e+00 : f32
    %broadcast_in_dim3A_2 = vector.broadcast %broadcast_in_dim3A : f32 to vector<16xf32>
    %swap3A = arith.constant 0 : index
    %swap3A_3 = tpu.vector_load %arg11[%swap3A] {strides = array<i32>} : memref<640xf32, #tpu.memory_space<vmem>>, vector<16xf32>,
    tpu.vector_store %arg11[%swap3A], %broadcast_in_dim3A_2 {strides = array<i32>} : memref<640xf32, #tpu.memory_space<vmem>>, vector<16xf32>,
    %broadcast_in_dim3A_4 = arith.constant 0.000000e+00 : f32
    %broadcast_in_dim3A_5 = vector.broadcast %broadcast_in_dim3A_4 : f32 to vector<16xf32>
    %swap3A_6 = arith.constant 16 : index
    %swap3A_7 = tpu.vector_load %arg11[%swap3A_6] {strides = array<i32>} : memref<640xf32, #tpu.memory_space<vmem>>, vector<16xf32>,
    tpu.vector_store %arg11[%swap3A_6], %broadcast_in_dim3A_5 {strides = array<i32>} : memref<640xf32, #tpu.memory_space<vmem>>, vector<16xf32>,
    %broadcast_in_dim3A_8 = arith.constant 0.000000e+00 : f32
    %broadcast_in_dim3A_9 = vector.broadcast %broadcast_in_dim3A_8 : f32 to vector<16xf32>
    %swap3A_10 = arith.constant 32 : index
    %swap3A_11 = tpu.vector_load %arg11[%swap3A_10] {strides = array<i32>} : memref<640xf32, #tpu.memory_space<vmem>>, vector<16xf32>,
    tpu.vector_store %arg11[%swap3A_10], %broadcast_in_dim3A_9 {strides = array<i32>} : memref<640xf32, #tpu.memory_space<vmem>>, vector<16xf32>,
    %broadcast_in_dim3A_12 = arith.constant 0.000000e+00 : f32
    %broadcast_in_dim3A_13 = vector.broadcast %broadcast_in_dim3A_12 : f32 to vector<16xf32>
    %swap3A_14 = arith.constant 48 : index
    %swap3A_15 = tpu.vector_load %arg11[%swap3A_14] {strides = array<i32>} : memref<640xf32, #tpu.memory_space<vmem>>, vector<16xf32>,
    tpu.vector_store %arg11[%swap3A_14], %broadcast_in_dim3A_13 {strides = array<i32>} : memref<640xf32, #tpu.memory_space<vmem>>, vector<16xf32>,
    %broadcast_in_dim3A_16 = arith.constant 0.000000e+00 : f32
    %broadcast_in_dim3A_17 = vector.broadcast %broadcast_in_dim3A_16 : f32 to vector<16xf32>
    %swap3A_18 = arith.constant 64 : index
    %swap3A_19 = tpu.vector_load %arg11[%swap3A_18] {strides = array<i32>} : memref<640xf32, #tpu.memory_space<vmem>>, vector<16xf32>,
    tpu.vector_store %arg11[%swap3A_18], %broadcast_in_dim3A_17 {strides = array<i32>} : memref<640xf32, #tpu.memory_space<vmem>>, vector<16xf32>,
    %broadcast_in_dim3A_20 = arith.constant 0.000000e+00 : f32
    %broadcast_in_dim3A_21 = vector.broadcast %broadcast_in_dim3A_20 : f32 to vector<16xf32>
    %swap3A_22 = arith.constant 80 : index
    %swap3A_23 = tpu.vector_load %arg11[%swap3A_22] {strides = array<i32>} : memref<640xf32, #tpu.memory_space<vmem>>, vector<16xf32>,
    tpu.vector_store %arg11[%swap3A_22], %broadcast_in_dim3A_21 {strides = array<i32>} : memref<640xf32, #tpu.memory_space<vmem>>, vector<16xf32>,
    %broadcast_in_dim3A_24 = arith.constant 0.000000e+00 : f32
    %broadcast_in_dim3A_25 = vector.broadcast %broadcast_in_dim3A_24 : f32 to vector<16xf32>
    %swap3A_26 = arith.constant 96 : index
    %swap3A_27 = tpu.vector_load %arg11[%swap3A_26] {strides = array<i32>} : memref<640xf32, #tpu.memory_space<vmem>>, vector<16xf32>,
    tpu.vector_store %arg11[%swap3A_26], %broadcast_in_dim3A_25 {strides = array<i32>} : memref<640xf32, #tpu.memory_space<vmem>>, vector<16xf32>,
    %broadcast_in_dim3A_28 = arith.constant 0.000000e+00 : f32
    %broadcast_in_dim3A_29 = vector.broadcast %broadcast_in_dim3A_28 : f32 to vector<16xf32>
    %swap3A_30 = arith.constant 112 : index
    %swap3A_31 = tpu.vector_load %arg11[%swap3A_30] {strides = array<i32>} : memref<640xf32, #tpu.memory_space<vmem>>, vector<16xf32>,
    tpu.vector_store %arg11[%swap3A_30], %broadcast_in_dim3A_29 {strides = array<i32>} : memref<640xf32, #tpu.memory_space<vmem>>, vector<16xf32>,
    %broadcast_in_dim3A_32 = arith.constant 0.000000e+00 : f32
    %broadcast_in_dim3A_33 = vector.broadcast %broadcast_in_dim3A_32 : f32 to vector<16xf32>
    %swap3A_34 = arith.constant 128 : index
    %swap3A_35 = tpu.vector_load %arg11[%swap3A_34] {strides = array<i32>} : memref<640xf32, #tpu.memory_space<vmem>>, vector<16xf32>,
    tpu.vector_store %arg11[%swap3A_34], %broadcast_in_dim3A_33 {strides = array<i32>} : memref<640xf32, #tpu.memory_space<vmem>>, vector<16xf32>,
    %broadcast_in_dim3A_36 = arith.constant 0.000000e+00 : f32
    %broadcast_in_dim3A_37 = vector.broadcast %broadcast_in_dim3A_36 : f32 to vector<16xf32>
    %swap3A_38 = arith.constant 144 : index
    %swap3A_39 = tpu.vector_load %arg11[%swap3A_38] {strides = array<i32>} : memref<640xf32, #tpu.memory_space<vmem>>, vector<16xf32>,
    tpu.vector_store %arg11[%swap3A_38], %broadcast_in_dim3A_37 {strides = array<i32>} : memref<640xf32, #tpu.memory_space<vmem>>, vector<16xf32>,
    %broadcast_in_dim3A_40 = arith.constant 0.000000e+00 : f32
    %broadcast_in_dim3A_41 = vector.broadcast %broadcast_in_dim3A_40 : f32 to vector<16xf32>
    %swap3A_42 = arith.constant 160 : index
    %swap3A_43 = tpu.vector_load %arg11[%swap3A_42] {strides = array<i32>} : memref<640xf32, #tpu.memory_space<vmem>>, vector<16xf32>,
    tpu.vector_store %arg11[%swap3A_42], %broadcast_in_dim3A_41 {strides = array<i32>} : memref<640xf32, #tpu.memory_space<vmem>>, vector<16xf32>,
    %broadcast_in_dim3A_44 = arith.constant 0.000000e+00 : f32
    %broadcast_in_dim3A_45 = vector.broadcast %broadcast_in_dim3A_44 : f32 to vector<16xf32>
    %swap3A_46 = arith.constant 176 : index
    %swap3A_47 = tpu.vector_load %arg11[%swap3A_46] {strides = array<i32>} : memref<640xf32, #tpu.memory_space<vmem>>, vector<16xf32>,
    tpu.vector_store %arg11[%swap3A_46], %broadcast_in_dim3A_45 {strides = array<i32>} : memref<640xf32, #tpu.memory_space<vmem>>, vector<16xf32>,
    %broadcast_in_dim3A_48 = arith.constant 0.000000e+00 : f32
    %broadcast_in_dim3A_49 = vector.broadcast %broadcast_in_dim3A_48 : f32 to vector<16xf32>
    %swap3A_50 = arith.constant 192 : index
    %swap3A_51 = tpu.vector_load %arg11[%swap3A_50] {strides = array<i32>} : memref<640xf32, #tpu.memory_space<vmem>>, vector<16xf32>,
    tpu.vector_store %arg11[%swap3A_50], %broadcast_in_dim3A_49 {strides = array<i32>} : memref<640xf32, #tpu.memory_space<vmem>>, vector<16xf32>,
    %broadcast_in_dim3A_52 = arith.constant 0.000000e+00 : f32
    %broadcast_in_dim3A_53 = vector.broadcast %broadcast_in_dim3A_52 : f32 to vector<16xf32>
    %swap3A_54 = arith.constant 208 : index
    %swap3A_55 = tpu.vector_load %arg11[%swap3A_54] {strides = array<i32>} : memref<640xf32, #tpu.memory_space<vmem>>, vector<16xf32>,
    tpu.vector_store %arg11[%swap3A_54], %broadcast_in_dim3A_53 {strides = array<i32>} : memref<640xf32, #tpu.memory_space<vmem>>, vector<16xf32>,
    %broadcast_in_dim3A_56 = arith.constant 0.000000e+00 : f32
    %broadcast_in_dim3A_57 = vector.broadcast %broadcast_in_dim3A_56 : f32 to vector<16xf32>
    %swap3A_58 = arith.constant 224 : index
    %swap3A_59 = tpu.vector_load %arg11[%swap3A_58] {strides = array<i32>} : memref<640xf32, #tpu.memory_space<vmem>>, vector<16xf32>,
    tpu.vector_store %arg11[%swap3A_58], %broadcast_in_dim3A_57 {strides = array<i32>} : memref<640xf32, #tpu.memory_space<vmem>>, vector<16xf32>,
    %broadcast_in_dim3A_60 = arith.constant 0.000000e+00 : f32
    %broadcast_in_dim3A_61 = vector.broadcast %broadcast_in_dim3A_60 : f32 to vector<16xf32>
    %swap3A_62 = arith.constant 240 : index
    %swap3A_63 = tpu.vector_load %arg11[%swap3A_62] {strides = array<i32>} : memref<640xf32, #tpu.memory_space<vmem>>, vector<16xf32>,
    tpu.vector_store %arg11[%swap3A_62], %broadcast_in_dim3A_61 {strides = array<i32>} : memref<640xf32, #tpu.memory_space<vmem>>, vector<16xf32>,
    %broadcast_in_dim3A_64 = arith.constant 0.000000e+00 : f32
    %broadcast_in_dim3A_65 = vector.broadcast %broadcast_in_dim3A_64 : f32 to vector<16xf32>
    %swap3A_66 = arith.constant 256 : index
    %swap3A_67 = tpu.vector_load %arg11[%swap3A_66] {strides = array<i32>} : memref<640xf32, #tpu.memory_space<vmem>>, vector<16xf32>,
    tpu.vector_store %arg11[%swap3A_66], %broadcast_in_dim3A_65 {strides = array<i32>} : memref<640xf32, #tpu.memory_space<vmem>>, vector<16xf32>,
    %broadcast_in_dim3A_68 = arith.constant 0.000000e+00 : f32
    %broadcast_in_dim3A_69 = vector.broadcast %broadcast_in_dim3A_68 : f32 to vector<16xf32>
    %swap3A_70 = arith.constant 272 : index
    %swap3A_71 = tpu.vector_load %arg11[%swap3A_70] {strides = array<i32>} : memref<640xf32, #tpu.memory_space<vmem>>, vector<16xf32>,
    tpu.vector_store %arg11[%swap3A_70], %broadcast_in_dim3A_69 {strides = array<i32>} : memref<640xf32, #tpu.memory_space<vmem>>, vector<16xf32>,
    %broadcast_in_dim3A_72 = arith.constant 0.000000e+00 : f32
    %broadcast_in_dim3A_73 = vector.broadcast %broadcast_in_dim3A_72 : f32 to vector<16xf32>
    %swap3A_74 = arith.constant 288 : index
    %swap3A_75 = tpu.vector_load %arg11[%swap3A_74] {strides = array<i32>} : memref<640xf32, #tpu.memory_space<vmem>>, vector<16xf32>,
    tpu.vector_store %arg11[%swap3A_74], %broadcast_in_dim3A_73 {strides = array<i32>} : memref<640xf32, #tpu.memory_space<vmem>>, vector<16xf32>,
    %broadcast_in_dim3A_76 = arith.constant 0.000000e+00 : f32
    %broadcast_in_dim3A_77 = vector.broadcast %broadcast_in_dim3A_76 : f32 to vector<16xf32>
    %swap3A_78 = arith.constant 304 : index
    %swap3A_79 = tpu.vector_load %arg11[%swap3A_78] {strides = array<i32>} : memref<640xf32, #tpu.memory_space<vmem>>, vector<16xf32>,
    tpu.vector_store %arg11[%swap3A_78], %broadcast_in_dim3A_77 {strides = array<i32>} : memref<640xf32, #tpu.memory_space<vmem>>, vector<16xf32>,
    %broadcast_in_dim3A_80 = arith.constant 0.000000e+00 : f32
    %broadcast_in_dim3A_81 = vector.broadcast %broadcast_in_dim3A_80 : f32 to vector<16xf32>
    %swap3A_82 = arith.constant 320 : index
    %swap3A_83 = tpu.vector_load %arg11[%swap3A_82] {strides = array<i32>} : memref<640xf32, #tpu.memory_space<vmem>>, vector<16xf32>,
    tpu.vector_store %arg11[%swap3A_82], %broadcast_in_dim3A_81 {strides = array<i32>} : memref<640xf32, #tpu.memory_space<vmem>>, vector<16xf32>,
    %broadcast_in_dim3A_84 = arith.constant 0.000000e+00 : f32
    %broadcast_in_dim3A_85 = vector.broadcast %broadcast_in_dim3A_84 : f32 to vector<16xf32>
    %swap3A_86 = arith.constant 336 : index
    %swap3A_87 = tpu.vector_load %arg11[%swap3A_86] {strides = array<i32>} : memref<640xf32, #tpu.memory_space<vmem>>, vector<16xf32>,
    tpu.vector_store %arg11[%swap3A_86], %broadcast_in_dim3A_85 {strides = array<i32>} : memref<640xf32, #tpu.memory_space<vmem>>, vector<16xf32>,
    %broadcast_in_dim3A_88 = arith.constant 0.000000e+00 : f32
    %broadcast_in_dim3A_89 = vector.broadcast %broadcast_in_dim3A_88 : f32 to vector<16xf32>
    %swap3A_90 = arith.constant 352 : index
    %swap3A_91 = tpu.vector_load %arg11[%swap3A_90] {strides = array<i32>} : memref<640xf32, #tpu.memory_space<vmem>>, vector<16xf32>,
    tpu.vector_store %arg11[%swap3A_90], %broadcast_in_dim3A_89 {strides = array<i32>} : memref<640xf32, #tpu.memory_space<vmem>>, vector<16xf32>,
    %broadcast_in_dim3A_92 = arith.constant 0.000000e+00 : f32
    %broadcast_in_dim3A_93 = vector.broadcast %broadcast_in_dim3A_92 : f32 to vector<16xf32>
    %swap3A_94 = arith.constant 368 : index
    %swap3A_95 = tpu.vector_load %arg11[%swap3A_94] {strides = array<i32>} : memref<640xf32, #tpu.memory_space<vmem>>, vector<16xf32>,
    tpu.vector_store %arg11[%swap3A_94], %broadcast_in_dim3A_93 {strides = array<i32>} : memref<640xf32, #tpu.memory_space<vmem>>, vector<16xf32>,
    %broadcast_in_dim3A_96 = arith.constant 0.000000e+00 : f32
    %broadcast_in_dim3A_97 = vector.broadcast %broadcast_in_dim3A_96 : f32 to vector<16xf32>
    %swap3A_98 = arith.constant 384 : index
    %swap3A_99 = tpu.vector_load %arg11[%swap3A_98] {strides = array<i32>} : memref<640xf32, #tpu.memory_space<vmem>>, vector<16xf32>,
    tpu.vector_store %arg11[%swap3A_98], %broadcast_in_dim3A_97 {strides = array<i32>} : memref<640xf32, #tpu.memory_space<vmem>>, vector<16xf32>,
    %broadcast_in_dim3A_100 = arith.constant 0.000000e+00 : f32
    %broadcast_in_dim3A_101 = vector.broadcast %broadcast_in_dim3A_100 : f32 to vector<16xf32>
    %swap3A_102 = arith.constant 400 : index
    %swap3A_103 = tpu.vector_load %arg11[%swap3A_102] {strides = array<i32>} : memref<640xf32, #tpu.memory_space<vmem>>, vector<16xf32>,
    tpu.vector_store %arg11[%swap3A_102], %broadcast_in_dim3A_101 {strides = array<i32>} : memref<640xf32, #tpu.memory_space<vmem>>, vector<16xf32>,
    %broadcast_in_dim3A_104 = arith.constant 0.000000e+00 : f32
    %broadcast_in_dim3A_105 = vector.broadcast %broadcast_in_dim3A_104 : f32 to vector<16xf32>
    %swap3A_106 = arith.constant 416 : index
    %swap3A_107 = tpu.vector_load %arg11[%swap3A_106] {strides = array<i32>} : memref<640xf32, #tpu.memory_space<vmem>>, vector<16xf32>,
    tpu.vector_store %arg11[%swap3A_106], %broadcast_in_dim3A_105 {strides = array<i32>} : memref<640xf32, #tpu.memory_space<vmem>>, vector<16xf32>,
    %broadcast_in_dim3A_108 = arith.constant 0.000000e+00 : f32
    %broadcast_in_dim3A_109 = vector.broadcast %broadcast_in_dim3A_108 : f32 to vector<16xf32>
    %swap3A_110 = arith.constant 432 : index
    %swap3A_111 = tpu.vector_load %arg11[%swap3A_110] {strides = array<i32>} : memref<640xf32, #tpu.memory_space<vmem>>, vector<16xf32>,
    tpu.vector_store %arg11[%swap3A_110], %broadcast_in_dim3A_109 {strides = array<i32>} : memref<640xf32, #tpu.memory_space<vmem>>, vector<16xf32>,
    %broadcast_in_dim3A_112 = arith.constant 0.000000e+00 : f32
    %broadcast_in_dim3A_113 = vector.broadcast %broadcast_in_dim3A_112 : f32 to vector<16xf32>
    %swap3A_114 = arith.constant 448 : index
    %swap3A_115 = tpu.vector_load %arg11[%swap3A_114] {strides = array<i32>} : memref<640xf32, #tpu.memory_space<vmem>>, vector<16xf32>,
    tpu.vector_store %arg11[%swap3A_114], %broadcast_in_dim3A_113 {strides = array<i32>} : memref<640xf32, #tpu.memory_space<vmem>>, vector<16xf32>,
    %broadcast_in_dim3A_116 = arith.constant 0.000000e+00 : f32
    %broadcast_in_dim3A_117 = vector.broadcast %broadcast_in_dim3A_116 : f32 to vector<16xf32>
    %swap3A_118 = arith.constant 464 : index
    %swap3A_119 = tpu.vector_load %arg11[%swap3A_118] {strides = array<i32>} : memref<640xf32, #tpu.memory_space<vmem>>, vector<16xf32>,
    tpu.vector_store %arg11[%swap3A_118], %broadcast_in_dim3A_117 {strides = array<i32>} : memref<640xf32, #tpu.memory_space<vmem>>, vector<16xf32>,
    %broadcast_in_dim3A_120 = arith.constant 0.000000e+00 : f32
    %broadcast_in_dim3A_121 = vector.broadcast %broadcast_in_dim3A_120 : f32 to vector<16xf32>
    %swap3A_122 = arith.constant 480 : index
    %swap3A_123 = tpu.vector_load %arg11[%swap3A_122] {strides = array<i32>} : memref<640xf32, #tpu.memory_space<vmem>>, vector<16xf32>,
    tpu.vector_store %arg11[%swap3A_122], %broadcast_in_dim3A_121 {strides = array<i32>} : memref<640xf32, #tpu.memory_space<vmem>>, vector<16xf32>,
    %broadcast_in_dim3A_124 = arith.constant 0.000000e+00 : f32
    %broadcast_in_dim3A_125 = vector.broadcast %broadcast_in_dim3A_124 : f32 to vector<16xf32>
    %swap3A_126 = arith.constant 496 : index
    %swap3A_127 = tpu.vector_load %arg11[%swap3A_126] {strides = array<i32>} : memref<640xf32, #tpu.memory_space<vmem>>, vector<16xf32>,
    tpu.vector_store %arg11[%swap3A_126], %broadcast_in_dim3A_125 {strides = array<i32>} : memref<640xf32, #tpu.memory_space<vmem>>, vector<16xf32>,
    %broadcast_in_dim3A_128 = arith.constant 0.000000e+00 : f32
    %broadcast_in_dim3A_129 = vector.broadcast %broadcast_in_dim3A_128 : f32 to vector<16xf32>
    %swap3A_130 = arith.constant 512 : index
    %swap3A_131 = tpu.vector_load %arg11[%swap3A_130] {strides = array<i32>} : memref<640xf32, #tpu.memory_space<vmem>>, vector<16xf32>,
    tpu.vector_store %arg11[%swap3A_130], %broadcast_in_dim3A_129 {strides = array<i32>} : memref<640xf32, #tpu.memory_space<vmem>>, vector<16xf32>,
    %broadcast_in_dim3A_132 = arith.constant 0.000000e+00 : f32
    %broadcast_in_dim3A_133 = vector.broadcast %broadcast_in_dim3A_132 : f32 to vector<16xf32>
    %swap3A_134 = arith.constant 528 : index
    %swap3A_135 = tpu.vector_load %arg11[%swap3A_134] {strides = array<i32>} : memref<640xf32, #tpu.memory_space<vmem>>, vector<16xf32>,
    tpu.vector_store %arg11[%swap3A_134], %broadcast_in_dim3A_133 {strides = array<i32>} : memref<640xf32, #tpu.memory_space<vmem>>, vector<16xf32>,
    %broadcast_in_dim3A_136 = arith.constant 0.000000e+00 : f32
    %broadcast_in_dim3A_137 = vector.broadcast %broadcast_in_dim3A_136 : f32 to vector<16xf32>
    %swap3A_138 = arith.constant 544 : index
    %swap3A_139 = tpu.vector_load %arg11[%swap3A_138] {strides = array<i32>} : memref<640xf32, #tpu.memory_space<vmem>>, vector<16xf32>,
    tpu.vector_store %arg11[%swap3A_138], %broadcast_in_dim3A_137 {strides = array<i32>} : memref<640xf32, #tpu.memory_space<vmem>>, vector<16xf32>,
    %broadcast_in_dim3A_140 = arith.constant 0.000000e+00 : f32
    %broadcast_in_dim3A_141 = vector.broadcast %broadcast_in_dim3A_140 : f32 to vector<16xf32>
    %swap3A_142 = arith.constant 560 : index
    %swap3A_143 = tpu.vector_load %arg11[%swap3A_142] {strides = array<i32>} : memref<640xf32, #tpu.memory_space<vmem>>, vector<16xf32>,
    tpu.vector_store %arg11[%swap3A_142], %broadcast_in_dim3A_141 {strides = array<i32>} : memref<640xf32, #tpu.memory_space<vmem>>, vector<16xf32>,
    %broadcast_in_dim3A_144 = arith.constant 0.000000e+00 : f32
    %broadcast_in_dim3A_145 = vector.broadcast %broadcast_in_dim3A_144 : f32 to vector<16xf32>
    %swap3A_146 = arith.constant 576 : index
    %swap3A_147 = tpu.vector_load %arg11[%swap3A_146] {strides = array<i32>} : memref<640xf32, #tpu.memory_space<vmem>>, vector<16xf32>,
    tpu.vector_store %arg11[%swap3A_146], %broadcast_in_dim3A_145 {strides = array<i32>} : memref<640xf32, #tpu.memory_space<vmem>>, vector<16xf32>,
    %broadcast_in_dim3A_148 = arith.constant 0.000000e+00 : f32
    %broadcast_in_dim3A_149 = vector.broadcast %broadcast_in_dim3A_148 : f32 to vector<16xf32>
    %swap3A_150 = arith.constant 592 : index
    %swap3A_151 = tpu.vector_load %arg11[%swap3A_150] {strides = array<i32>} : memref<640xf32, #tpu.memory_space<vmem>>, vector<16xf32>,
    tpu.vector_store %arg11[%swap3A_150], %broadcast_in_dim3A_149 {strides = array<i32>} : memref<640xf32, #tpu.memory_space<vmem>>, vector<16xf32>,
    %broadcast_in_dim3A_152 = arith.constant 0.000000e+00 : f32
    %broadcast_in_dim3A_153 = vector.broadcast %broadcast_in_dim3A_152 : f32 to vector<16xf32>
    %swap3A_154 = arith.constant 608 : index
    %swap3A_155 = tpu.vector_load %arg11[%swap3A_154] {strides = array<i32>} : memref<640xf32, #tpu.memory_space<vmem>>, vector<16xf32>,
    tpu.vector_store %arg11[%swap3A_154], %broadcast_in_dim3A_153 {strides = array<i32>} : memref<640xf32, #tpu.memory_space<vmem>>, vector<16xf32>,
    %broadcast_in_dim3A_156 = arith.constant 0.000000e+00 : f32
    %broadcast_in_dim3A_157 = vector.broadcast %broadcast_in_dim3A_156 : f32 to vector<16xf32>
    %swap3A_158 = arith.constant 624 : index
    %swap3A_159 = tpu.vector_load %arg11[%swap3A_158] {strides = array<i32>} : memref<640xf32, #tpu.memory_space<vmem>>, vector<16xf32>,
    tpu.vector_store %arg11[%swap3A_158], %broadcast_in_dim3A_157 {strides = array<i32>} : memref<640xf32, #tpu.memory_space<vmem>>, vector<16xf32>,
    %mul3A = arith.constant 640 : i32
    %mul3A_160 = arith.muli %arg1, %mul3A : i32
    "tpu.region"() ({
      %run_scoped3A_248 = tpu.sem_alloc : memref<!tpu.dma_semaphore, #tpu.memory_space<semaphore_mem>>
      %dma_start3A_249 = tpu.memref_slice %arg12[%mul3A_160] : memref<10240xf32, #tpu.memory_space<vmem_shared>> -> memref<640xf32, #tpu.memory_space<vmem_shared>>
      %dma_start3A_250 = tpu.memref_slice %arg12[%mul3A_160] : memref<10240xf32, #tpu.memory_space<vmem_shared>> -> memref<640xf32, #tpu.memory_space<vmem_shared>>
      tpu.enqueue_dma source(%arg11 : memref<640xf32, #tpu.memory_space<vmem>>) target(%dma_start3A_250 : memref<640xf32, #tpu.memory_space<vmem_shared>>) target_semaphore(%run_scoped3A_248 : memref<!tpu.dma_semaphore, #tpu.memory_space<semaphore_mem>>)
      %dma_wait3A_251 = tpu.memref_slice %arg12[%mul3A_160] : memref<10240xf32, #tpu.memory_space<vmem_shared>> -> memref<640xf32, #tpu.memory_space<vmem_shared>>
      %dma_wait3A_252 = tpu.memref_slice %arg12[%mul3A_160] : memref<10240xf32, #tpu.memory_space<vmem_shared>> -> memref<640xf32, #tpu.memory_space<vmem_shared>>
      tpu.wait_dma2 semaphore(%run_scoped3A_248 : memref<!tpu.dma_semaphore, #tpu.memory_space<semaphore_mem>>) src(%arg11 : memref<640xf32, #tpu.memory_space<vmem>>) dst(%dma_wait3A_252 : memref<640xf32, #tpu.memory_space<vmem_shared>>)
      tpu.yield
    }) : () -> ()
    %mul3A_161 = arith.constant 640 : i32
    %mul3A_162 = arith.muli %arg1, %mul3A_161 : i32
    "tpu.region"() ({
      %run_scoped3A_248 = tpu.sem_alloc : memref<!tpu.dma_semaphore, #tpu.memory_space<semaphore_mem>>
      %dma_start3A_249 = tpu.memref_slice %arg13[%mul3A_162] : memref<10240xf32, #tpu.memory_space<vmem_shared>> -> memref<640xf32, #tpu.memory_space<vmem_shared>>
      %dma_start3A_250 = tpu.memref_slice %arg13[%mul3A_162] : memref<10240xf32, #tpu.memory_space<vmem_shared>> -> memref<640xf32, #tpu.memory_space<vmem_shared>>
      tpu.enqueue_dma source(%arg11 : memref<640xf32, #tpu.memory_space<vmem>>) target(%dma_start3A_250 : memref<640xf32, #tpu.memory_space<vmem_shared>>) target_semaphore(%run_scoped3A_248 : memref<!tpu.dma_semaphore, #tpu.memory_space<semaphore_mem>>)
      %dma_wait3A_251 = tpu.memref_slice %arg13[%mul3A_162] : memref<10240xf32, #tpu.memory_space<vmem_shared>> -> memref<640xf32, #tpu.memory_space<vmem_shared>>
      %dma_wait3A_252 = tpu.memref_slice %arg13[%mul3A_162] : memref<10240xf32, #tpu.memory_space<vmem_shared>> -> memref<640xf32, #tpu.memory_space<vmem_shared>>
      tpu.wait_dma2 semaphore(%run_scoped3A_248 : memref<!tpu.dma_semaphore, #tpu.memory_space<semaphore_mem>>) src(%arg11 : memref<640xf32, #tpu.memory_space<vmem>>) dst(%dma_wait3A_252 : memref<640xf32, #tpu.memory_space<vmem_shared>>)
      tpu.yield
    }) : () -> ()
    %barrier3A = arith.constant 0 : index
    tpu.barrier barrier_id(%barrier3A)
    %scan3A = arith.constant 0 : i32
    %scan3A_163 = arith.constant 0 : i32
    %scan3A_164 = arith.constant 156 : i32
    %scan3A_165 = arith.addi %scan3A_163, %scan3A_164 : i32
    %scan3A_166 = arith.constant 1 : i32
    %scan3A_167 = scf.for %scan3A_248 = %scan3A_163 to %scan3A_165 step %scan3A_166 iter_args(%scan3A_249 = %scan3A) -> (i32)  : i32 {
      %mul3A_250 = arith.constant 128 : i32
      %mul3A_251 = arith.muli %scan3A_248, %mul3A_250 : i32
      %add3A = arith.constant 0 : i32
      %add3A_252 = arith.addi %mul3A_251, %add3A : i32
      %get3A_253 = arith.index_cast %add3A_252 : i32 to index
      %get3A_254 = tpu.vector_load %arg6[%get3A_253] {strides = array<i32>} : memref<20000xi32, #tpu.memory_space<vmem>>, vector<16xi32>,
      %add3A_255 = arith.constant 0 : i32
      %add3A_256 = arith.addi %mul3A_251, %add3A_255 : i32
      %get3A_257 = arith.index_cast %add3A_256 : i32 to index
      %get3A_258 = tpu.vector_load %arg8[%get3A_257] {strides = array<i32>} : memref<20000xf32, #tpu.memory_space<vmem>>, vector<16xf32>,
      %gather3A_259 = tpu.vector_load_idx %arg10[%get3A_254] : memref<10240xf32, #tpu.memory_space<vmem>>[vector<16xi32>], vector<16xf32>,
      %mul3A_260 = arith.mulf %get3A_258, %gather3A_259 : vector<16xf32>
      %add3A_261 = arith.constant 0 : i32
      %add3A_262 = arith.addi %mul3A_251, %add3A_261 : i32
      %swap3A_263 = arith.index_cast %add3A_262 : i32 to index
      %swap3A_264 = tpu.vector_load %arg9[%swap3A_263] {strides = array<i32>} : memref<20000xf32, #tpu.memory_space<vmem>>, vector<16xf32>,
      tpu.vector_store %arg9[%swap3A_263], %mul3A_260 {strides = array<i32>} : memref<20000xf32, #tpu.memory_space<vmem>>, vector<16xf32>,
      %add3A_265 = arith.constant 16 : i32
      %add3A_266 = arith.addi %mul3A_251, %add3A_265 : i32
      %get3A_267 = arith.index_cast %add3A_266 : i32 to index
      %get3A_268 = tpu.vector_load %arg6[%get3A_267] {strides = array<i32>} : memref<20000xi32, #tpu.memory_space<vmem>>, vector<16xi32>,
      %add3A_269 = arith.constant 16 : i32
      %add3A_270 = arith.addi %mul3A_251, %add3A_269 : i32
      %get3A_271 = arith.index_cast %add3A_270 : i32 to index
      %get3A_272 = tpu.vector_load %arg8[%get3A_271] {strides = array<i32>} : memref<20000xf32, #tpu.memory_space<vmem>>, vector<16xf32>,
      %gather3A_273 = tpu.vector_load_idx %arg10[%get3A_268] : memref<10240xf32, #tpu.memory_space<vmem>>[vector<16xi32>], vector<16xf32>,
      %mul3A_274 = arith.mulf %get3A_272, %gather3A_273 : vector<16xf32>
      %add3A_275 = arith.constant 16 : i32
      %add3A_276 = arith.addi %mul3A_251, %add3A_275 : i32
      %swap3A_277 = arith.index_cast %add3A_276 : i32 to index
      %swap3A_278 = tpu.vector_load %arg9[%swap3A_277] {strides = array<i32>} : memref<20000xf32, #tpu.memory_space<vmem>>, vector<16xf32>,
      tpu.vector_store %arg9[%swap3A_277], %mul3A_274 {strides = array<i32>} : memref<20000xf32, #tpu.memory_space<vmem>>, vector<16xf32>,
      %add3A_279 = arith.constant 32 : i32
      %add3A_280 = arith.addi %mul3A_251, %add3A_279 : i32
      %get3A_281 = arith.index_cast %add3A_280 : i32 to index
      %get3A_282 = tpu.vector_load %arg6[%get3A_281] {strides = array<i32>} : memref<20000xi32, #tpu.memory_space<vmem>>, vector<16xi32>,
      %add3A_283 = arith.constant 32 : i32
      %add3A_284 = arith.addi %mul3A_251, %add3A_283 : i32
      %get3A_285 = arith.index_cast %add3A_284 : i32 to index
      %get3A_286 = tpu.vector_load %arg8[%get3A_285] {strides = array<i32>} : memref<20000xf32, #tpu.memory_space<vmem>>, vector<16xf32>,
      %gather3A_287 = tpu.vector_load_idx %arg10[%get3A_282] : memref<10240xf32, #tpu.memory_space<vmem>>[vector<16xi32>], vector<16xf32>,
      %mul3A_288 = arith.mulf %get3A_286, %gather3A_287 : vector<16xf32>
      %add3A_289 = arith.constant 32 : i32
      %add3A_290 = arith.addi %mul3A_251, %add3A_289 : i32
      %swap3A_291 = arith.index_cast %add3A_290 : i32 to index
      %swap3A_292 = tpu.vector_load %arg9[%swap3A_291] {strides = array<i32>} : memref<20000xf32, #tpu.memory_space<vmem>>, vector<16xf32>,
      tpu.vector_store %arg9[%swap3A_291], %mul3A_288 {strides = array<i32>} : memref<20000xf32, #tpu.memory_space<vmem>>, vector<16xf32>,
      %add3A_293 = arith.constant 48 : i32
      %add3A_294 = arith.addi %mul3A_251, %add3A_293 : i32
      %get3A_295 = arith.index_cast %add3A_294 : i32 to index
      %get3A_296 = tpu.vector_load %arg6[%get3A_295] {strides = array<i32>} : memref<20000xi32, #tpu.memory_space<vmem>>, vector<16xi32>,
      %add3A_297 = arith.constant 48 : i32
      %add3A_298 = arith.addi %mul3A_251, %add3A_297 : i32
      %get3A_299 = arith.index_cast %add3A_298 : i32 to index
      %get3A_300 = tpu.vector_load %arg8[%get3A_299] {strides = array<i32>} : memref<20000xf32, #tpu.memory_space<vmem>>, vector<16xf32>,
      %gather3A_301 = tpu.vector_load_idx %arg10[%get3A_296] : memref<10240xf32, #tpu.memory_space<vmem>>[vector<16xi32>], vector<16xf32>,
      %mul3A_302 = arith.mulf %get3A_300, %gather3A_301 : vector<16xf32>
      %add3A_303 = arith.constant 48 : i32
      %add3A_304 = arith.addi %mul3A_251, %add3A_303 : i32
      %swap3A_305 = arith.index_cast %add3A_304 : i32 to index
      %swap3A_306 = tpu.vector_load %arg9[%swap3A_305] {strides = array<i32>} : memref<20000xf32, #tpu.memory_space<vmem>>, vector<16xf32>,
      tpu.vector_store %arg9[%swap3A_305], %mul3A_302 {strides = array<i32>} : memref<20000xf32, #tpu.memory_space<vmem>>, vector<16xf32>,
      %add3A_307 = arith.constant 64 : i32
      %add3A_308 = arith.addi %mul3A_251, %add3A_307 : i32
      %get3A_309 = arith.index_cast %add3A_308 : i32 to index
      %get3A_310 = tpu.vector_load %arg6[%get3A_309] {strides = array<i32>} : memref<20000xi32, #tpu.memory_space<vmem>>, vector<16xi32>,
      %add3A_311 = arith.constant 64 : i32
      %add3A_312 = arith.addi %mul3A_251, %add3A_311 : i32
      %get3A_313 = arith.index_cast %add3A_312 : i32 to index
      %get3A_314 = tpu.vector_load %arg8[%get3A_313] {strides = array<i32>} : memref<20000xf32, #tpu.memory_space<vmem>>, vector<16xf32>,
      %gather3A_315 = tpu.vector_load_idx %arg10[%get3A_310] : memref<10240xf32, #tpu.memory_space<vmem>>[vector<16xi32>], vector<16xf32>,
      %mul3A_316 = arith.mulf %get3A_314, %gather3A_315 : vector<16xf32>
      %add3A_317 = arith.constant 64 : i32
      %add3A_318 = arith.addi %mul3A_251, %add3A_317 : i32
      %swap3A_319 = arith.index_cast %add3A_318 : i32 to index
      %swap3A_320 = tpu.vector_load %arg9[%swap3A_319] {strides = array<i32>} : memref<20000xf32, #tpu.memory_space<vmem>>, vector<16xf32>,
      tpu.vector_store %arg9[%swap3A_319], %mul3A_316 {strides = array<i32>} : memref<20000xf32, #tpu.memory_space<vmem>>, vector<16xf32>,
      %add3A_321 = arith.constant 80 : i32
      %add3A_322 = arith.addi %mul3A_251, %add3A_321 : i32
      %get3A_323 = arith.index_cast %add3A_322 : i32 to index
      %get3A_324 = tpu.vector_load %arg6[%get3A_323] {strides = array<i32>} : memref<20000xi32, #tpu.memory_space<vmem>>, vector<16xi32>,
      %add3A_325 = arith.constant 80 : i32
      %add3A_326 = arith.addi %mul3A_251, %add3A_325 : i32
      %get3A_327 = arith.index_cast %add3A_326 : i32 to index
      %get3A_328 = tpu.vector_load %arg8[%get3A_327] {strides = array<i32>} : memref<20000xf32, #tpu.memory_space<vmem>>, vector<16xf32>,
      %gather3A_329 = tpu.vector_load_idx %arg10[%get3A_324] : memref<10240xf32, #tpu.memory_space<vmem>>[vector<16xi32>], vector<16xf32>,
      %mul3A_330 = arith.mulf %get3A_328, %gather3A_329 : vector<16xf32>
      %add3A_331 = arith.constant 80 : i32
      %add3A_332 = arith.addi %mul3A_251, %add3A_331 : i32
      %swap3A_333 = arith.index_cast %add3A_332 : i32 to index
      %swap3A_334 = tpu.vector_load %arg9[%swap3A_333] {strides = array<i32>} : memref<20000xf32, #tpu.memory_space<vmem>>, vector<16xf32>,
      tpu.vector_store %arg9[%swap3A_333], %mul3A_330 {strides = array<i32>} : memref<20000xf32, #tpu.memory_space<vmem>>, vector<16xf32>,
      %add3A_335 = arith.constant 96 : i32
      %add3A_336 = arith.addi %mul3A_251, %add3A_335 : i32
      %get3A_337 = arith.index_cast %add3A_336 : i32 to index
      %get3A_338 = tpu.vector_load %arg6[%get3A_337] {strides = array<i32>} : memref<20000xi32, #tpu.memory_space<vmem>>, vector<16xi32>,
      %add3A_339 = arith.constant 96 : i32
      %add3A_340 = arith.addi %mul3A_251, %add3A_339 : i32
      %get3A_341 = arith.index_cast %add3A_340 : i32 to index
      %get3A_342 = tpu.vector_load %arg8[%get3A_341] {strides = array<i32>} : memref<20000xf32, #tpu.memory_space<vmem>>, vector<16xf32>,
      %gather3A_343 = tpu.vector_load_idx %arg10[%get3A_338] : memref<10240xf32, #tpu.memory_space<vmem>>[vector<16xi32>], vector<16xf32>,
      %mul3A_344 = arith.mulf %get3A_342, %gather3A_343 : vector<16xf32>
      %add3A_345 = arith.constant 96 : i32
      %add3A_346 = arith.addi %mul3A_251, %add3A_345 : i32
      %swap3A_347 = arith.index_cast %add3A_346 : i32 to index
      %swap3A_348 = tpu.vector_load %arg9[%swap3A_347] {strides = array<i32>} : memref<20000xf32, #tpu.memory_space<vmem>>, vector<16xf32>,
      tpu.vector_store %arg9[%swap3A_347], %mul3A_344 {strides = array<i32>} : memref<20000xf32, #tpu.memory_space<vmem>>, vector<16xf32>,
      %add3A_349 = arith.constant 112 : i32
      %add3A_350 = arith.addi %mul3A_251, %add3A_349 : i32
      %get3A_351 = arith.index_cast %add3A_350 : i32 to index
      %get3A_352 = tpu.vector_load %arg6[%get3A_351] {strides = array<i32>} : memref<20000xi32, #tpu.memory_space<vmem>>, vector<16xi32>,
      %add3A_353 = arith.constant 112 : i32
      %add3A_354 = arith.addi %mul3A_251, %add3A_353 : i32
      %get3A_355 = arith.index_cast %add3A_354 : i32 to index
      %get3A_356 = tpu.vector_load %arg8[%get3A_355] {strides = array<i32>} : memref<20000xf32, #tpu.memory_space<vmem>>, vector<16xf32>,
      %gather3A_357 = tpu.vector_load_idx %arg10[%get3A_352] : memref<10240xf32, #tpu.memory_space<vmem>>[vector<16xi32>], vector<16xf32>,
      %mul3A_358 = arith.mulf %get3A_356, %gather3A_357 : vector<16xf32>
      %add3A_359 = arith.constant 112 : i32
      %add3A_360 = arith.addi %mul3A_251, %add3A_359 : i32
      %swap3A_361 = arith.index_cast %add3A_360 : i32 to index
      %swap3A_362 = tpu.vector_load %arg9[%swap3A_361] {strides = array<i32>} : memref<20000xf32, #tpu.memory_space<vmem>>, vector<16xf32>,
      tpu.vector_store %arg9[%swap3A_361], %mul3A_358 {strides = array<i32>} : memref<20000xf32, #tpu.memory_space<vmem>>, vector<16xf32>,
      %dma_start3A_363 = tpu.memref_slice %arg9[%mul3A_251] : memref<20000xf32, #tpu.memory_space<vmem>> -> memref<128xf32, #tpu.memory_space<vmem>>
      %dma_start3A_364 = tpu.memref_slice %arg7[%mul3A_251] : memref<20000xi32, #tpu.memory_space<vmem>> -> memref<128xi32, #tpu.memory_space<vmem>>
      %dma_start3A_365 = arith.constant 0 : i32
      %dma_start3A_366 = tpu.memref_slice %arg12[%dma_start3A_365] : memref<10240xf32, #tpu.memory_space<vmem_shared>> -> memref<10240xf32, #tpu.memory_space<vmem_shared>>
      tpu.enqueue_indirect_dma source(%dma_start3A_363 : memref<128xf32, #tpu.memory_space<vmem>>) target(%dma_start3A_366 : memref<10240xf32, #tpu.memory_space<vmem_shared>>) offsets(%dma_start3A_364 : memref<128xi32, #tpu.memory_space<vmem>>) semaphore(%arg14 : memref<!tpu.dma_semaphore, #tpu.memory_space<semaphore_mem>>) {add = true}
      %scan3A_367 = arith.constant 0 : i32
      scf.yield %scan3A_367 : i32
    }
    %scan3A_168 = arith.constant 156 : i32
    %get3A = arith.constant 19968 : index
    %get3A_169 = tpu.vector_load %arg6[%get3A] {strides = array<i32>} : memref<20000xi32, #tpu.memory_space<vmem>>, vector<16xi32>,
    %get3A_170 = arith.constant 19968 : index
    %get3A_171 = tpu.vector_load %arg8[%get3A_170] {strides = array<i32>} : memref<20000xf32, #tpu.memory_space<vmem>>, vector<16xf32>,
    %gather3A = tpu.vector_load_idx %arg10[%get3A_169] : memref<10240xf32, #tpu.memory_space<vmem>>[vector<16xi32>], vector<16xf32>,
    %mul3A_172 = arith.mulf %get3A_171, %gather3A : vector<16xf32>
    %swap3A_173 = arith.constant 19968 : index
    %swap3A_174 = tpu.vector_load %arg9[%swap3A_173] {strides = array<i32>} : memref<20000xf32, #tpu.memory_space<vmem>>, vector<16xf32>,
    tpu.vector_store %arg9[%swap3A_173], %mul3A_172 {strides = array<i32>} : memref<20000xf32, #tpu.memory_space<vmem>>, vector<16xf32>,
    %get3A_175 = arith.constant 19984 : index
    %get3A_176 = tpu.vector_load %arg6[%get3A_175] {strides = array<i32>} : memref<20000xi32, #tpu.memory_space<vmem>>, vector<16xi32>,
    %get3A_177 = arith.constant 19984 : index
    %get3A_178 = tpu.vector_load %arg8[%get3A_177] {strides = array<i32>} : memref<20000xf32, #tpu.memory_space<vmem>>, vector<16xf32>,
    %gather3A_179 = tpu.vector_load_idx %arg10[%get3A_176] : memref<10240xf32, #tpu.memory_space<vmem>>[vector<16xi32>], vector<16xf32>,
    %mul3A_180 = arith.mulf %get3A_178, %gather3A_179 : vector<16xf32>
    %swap3A_181 = arith.constant 19984 : index
    %swap3A_182 = tpu.vector_load %arg9[%swap3A_181] {strides = array<i32>} : memref<20000xf32, #tpu.memory_space<vmem>>, vector<16xf32>,
    tpu.vector_store %arg9[%swap3A_181], %mul3A_180 {strides = array<i32>} : memref<20000xf32, #tpu.memory_space<vmem>>, vector<16xf32>,
    %dma_start3A = arith.constant 19968 : i32
    %dma_start3A_183 = tpu.memref_slice %arg9[%dma_start3A] : memref<20000xf32, #tpu.memory_space<vmem>> -> memref<32xf32, #tpu.memory_space<vmem>>
    %dma_start3A_184 = arith.constant 19968 : i32
    %dma_start3A_185 = tpu.memref_slice %arg7[%dma_start3A_184] : memref<20000xi32, #tpu.memory_space<vmem>> -> memref<32xi32, #tpu.memory_space<vmem>>
    %dma_start3A_186 = arith.constant 0 : i32
    %dma_start3A_187 = tpu.memref_slice %arg12[%dma_start3A_186] : memref<10240xf32, #tpu.memory_space<vmem_shared>> -> memref<10240xf32, #tpu.memory_space<vmem_shared>>
    tpu.enqueue_indirect_dma source(%dma_start3A_183 : memref<32xf32, #tpu.memory_space<vmem>>) target(%dma_start3A_187 : memref<10240xf32, #tpu.memory_space<vmem_shared>>) offsets(%dma_start3A_185 : memref<32xi32, #tpu.memory_space<vmem>>) semaphore(%arg14 : memref<!tpu.dma_semaphore, #tpu.memory_space<semaphore_mem>>) {add = true}
    %scan3A_188 = arith.constant 0 : i32
    %scan3A_189 = arith.constant 0 : i32
    %scan3A_190 = arith.constant 156 : i32
    %scan3A_191 = arith.addi %scan3A_189, %scan3A_190 : i32
    %scan3A_192 = arith.constant 1 : i32
    %scan3A_193 = scf.for %scan3A_248 = %scan3A_189 to %scan3A_191 step %scan3A_192 iter_args(%scan3A_249 = %scan3A_188) -> (i32)  : i32 {
      %mul3A_250 = arith.constant 128 : i32
      %mul3A_251 = arith.muli %scan3A_248, %mul3A_250 : i32
      %mul3A_252 = arith.constant 128 : i32
      %mul3A_253 = arith.muli %scan3A_248, %mul3A_252 : i32
      %dma_wait3A_254 = tpu.memref_slice %arg9[%mul3A_251] : memref<20000xf32, #tpu.memory_space<vmem>> -> memref<128xf32, #tpu.memory_space<vmem>>
      %dma_wait3A_255 = tpu.memref_slice %arg7[%mul3A_253] : memref<20000xi32, #tpu.memory_space<vmem>> -> memref<128xi32, #tpu.memory_space<vmem>>
      %dma_wait3A_256 = arith.constant 0 : i32
      %dma_wait3A_257 = tpu.memref_slice %arg12[%dma_wait3A_256] : memref<10240xf32, #tpu.memory_space<vmem_shared>> -> memref<10240xf32, #tpu.memory_space<vmem_shared>>
      tpu.wait_indirect_dma semaphore(%arg14 : memref<!tpu.dma_semaphore, #tpu.memory_space<semaphore_mem>>) src(%dma_wait3A_254 : memref<128xf32, #tpu.memory_space<vmem>>) dst(%dma_wait3A_257 : memref<10240xf32, #tpu.memory_space<vmem_shared>>)
      %scan3A_258 = arith.constant 0 : i32
      scf.yield %scan3A_258 : i32
    }
    %scan3A_194 = arith.constant 156 : i32
    %dma_wait3A = arith.constant 19968 : i32
    %dma_wait3A_195 = tpu.memref_slice %arg9[%dma_wait3A] : memref<20000xf32, #tpu.memory_space<vmem>> -> memref<32xf32, #tpu.memory_space<vmem>>
    %dma_wait3A_196 = arith.constant 19968 : i32
    %dma_wait3A_197 = tpu.memref_slice %arg7[%dma_wait3A_196] : memref<20000xi32, #tpu.memory_space<vmem>> -> memref<32xi32, #tpu.memory_space<vmem>>
    %dma_wait3A_198 = arith.constant 0 : i32
    %dma_wait3A_199 = tpu.memref_slice %arg12[%dma_wait3A_198] : memref<10240xf32, #tpu.memory_space<vmem_shared>> -> memref<10240xf32, #tpu.memory_space<vmem_shared>>
    tpu.wait_indirect_dma semaphore(%arg14 : memref<!tpu.dma_semaphore, #tpu.memory_space<semaphore_mem>>) src(%dma_wait3A_195 : memref<32xf32, #tpu.memory_space<vmem>>) dst(%dma_wait3A_199 : memref<10240xf32, #tpu.memory_space<vmem_shared>>)
    %barrier3A_200 = arith.constant 0 : index
    tpu.barrier barrier_id(%barrier3A_200)
    "tpu.region"() ({
      %run_scoped3A_248 = tpu.sem_alloc : memref<!tpu.dma_semaphore, #tpu.memory_space<semaphore_mem>>
      tpu.enqueue_dma source(%arg12 : memref<10240xf32, #tpu.memory_space<vmem_shared>>) target(%arg10 : memref<10240xf32, #tpu.memory_space<vmem>>) target_semaphore(%run_scoped3A_248 : memref<!tpu.dma_semaphore, #tpu.memory_space<semaphore_mem>>)
      tpu.wait_dma2 semaphore(%run_scoped3A_248 : memref<!tpu.dma_semaphore, #tpu.memory_space<semaphore_mem>>) src(%arg12 : memref<10240xf32, #tpu.memory_space<vmem_shared>>) dst(%arg10 : memref<10240xf32, #tpu.memory_space<vmem>>)
      tpu.yield
    }) : () -> ()
    %scan3A_201 = arith.constant 0 : i32
    %scan3A_202 = arith.constant 0 : i32
    %scan3A_203 = arith.constant 156 : i32
    %scan3A_204 = arith.addi %scan3A_202, %scan3A_203 : i32
    %scan3A_205 = arith.constant 1 : i32
    %scan3A_206 = scf.for %scan3A_248 = %scan3A_202 to %scan3A_204 step %scan3A_205 iter_args(%scan3A_249 = %scan3A_201) -> (i32)  : i32 {
      %mul3A_250 = arith.constant 128 : i32
      %mul3A_251 = arith.muli %scan3A_248, %mul3A_250 : i32
      %add3A = arith.constant 0 : i32
      %add3A_252 = arith.addi %mul3A_251, %add3A : i32
      %get3A_253 = arith.index_cast %add3A_252 : i32 to index
      %get3A_254 = tpu.vector_load %arg6[%get3A_253] {strides = array<i32>} : memref<20000xi32, #tpu.memory_space<vmem>>, vector<16xi32>,
      %add3A_255 = arith.constant 0 : i32
      %add3A_256 = arith.addi %mul3A_251, %add3A_255 : i32
      %get3A_257 = arith.index_cast %add3A_256 : i32 to index
      %get3A_258 = tpu.vector_load %arg8[%get3A_257] {strides = array<i32>} : memref<20000xf32, #tpu.memory_space<vmem>>, vector<16xf32>,
      %gather3A_259 = tpu.vector_load_idx %arg10[%get3A_254] : memref<10240xf32, #tpu.memory_space<vmem>>[vector<16xi32>], vector<16xf32>,
      %mul3A_260 = arith.mulf %get3A_258, %gather3A_259 : vector<16xf32>
      %add3A_261 = arith.constant 0 : i32
      %add3A_262 = arith.addi %mul3A_251, %add3A_261 : i32
      %swap3A_263 = arith.index_cast %add3A_262 : i32 to index
      %swap3A_264 = tpu.vector_load %arg9[%swap3A_263] {strides = array<i32>} : memref<20000xf32, #tpu.memory_space<vmem>>, vector<16xf32>,
      tpu.vector_store %arg9[%swap3A_263], %mul3A_260 {strides = array<i32>} : memref<20000xf32, #tpu.memory_space<vmem>>, vector<16xf32>,
      %add3A_265 = arith.constant 16 : i32
      %add3A_266 = arith.addi %mul3A_251, %add3A_265 : i32
      %get3A_267 = arith.index_cast %add3A_266 : i32 to index
      %get3A_268 = tpu.vector_load %arg6[%get3A_267] {strides = array<i32>} : memref<20000xi32, #tpu.memory_space<vmem>>, vector<16xi32>,
      %add3A_269 = arith.constant 16 : i32
      %add3A_270 = arith.addi %mul3A_251, %add3A_269 : i32
      %get3A_271 = arith.index_cast %add3A_270 : i32 to index
      %get3A_272 = tpu.vector_load %arg8[%get3A_271] {strides = array<i32>} : memref<20000xf32, #tpu.memory_space<vmem>>, vector<16xf32>,
      %gather3A_273 = tpu.vector_load_idx %arg10[%get3A_268] : memref<10240xf32, #tpu.memory_space<vmem>>[vector<16xi32>], vector<16xf32>,
      %mul3A_274 = arith.mulf %get3A_272, %gather3A_273 : vector<16xf32>
      %add3A_275 = arith.constant 16 : i32
      %add3A_276 = arith.addi %mul3A_251, %add3A_275 : i32
      %swap3A_277 = arith.index_cast %add3A_276 : i32 to index
      %swap3A_278 = tpu.vector_load %arg9[%swap3A_277] {strides = array<i32>} : memref<20000xf32, #tpu.memory_space<vmem>>, vector<16xf32>,
      tpu.vector_store %arg9[%swap3A_277], %mul3A_274 {strides = array<i32>} : memref<20000xf32, #tpu.memory_space<vmem>>, vector<16xf32>,
      %add3A_279 = arith.constant 32 : i32
      %add3A_280 = arith.addi %mul3A_251, %add3A_279 : i32
      %get3A_281 = arith.index_cast %add3A_280 : i32 to index
      %get3A_282 = tpu.vector_load %arg6[%get3A_281] {strides = array<i32>} : memref<20000xi32, #tpu.memory_space<vmem>>, vector<16xi32>,
      %add3A_283 = arith.constant 32 : i32
      %add3A_284 = arith.addi %mul3A_251, %add3A_283 : i32
      %get3A_285 = arith.index_cast %add3A_284 : i32 to index
      %get3A_286 = tpu.vector_load %arg8[%get3A_285] {strides = array<i32>} : memref<20000xf32, #tpu.memory_space<vmem>>, vector<16xf32>,
      %gather3A_287 = tpu.vector_load_idx %arg10[%get3A_282] : memref<10240xf32, #tpu.memory_space<vmem>>[vector<16xi32>], vector<16xf32>,
      %mul3A_288 = arith.mulf %get3A_286, %gather3A_287 : vector<16xf32>
      %add3A_289 = arith.constant 32 : i32
      %add3A_290 = arith.addi %mul3A_251, %add3A_289 : i32
      %swap3A_291 = arith.index_cast %add3A_290 : i32 to index
      %swap3A_292 = tpu.vector_load %arg9[%swap3A_291] {strides = array<i32>} : memref<20000xf32, #tpu.memory_space<vmem>>, vector<16xf32>,
      tpu.vector_store %arg9[%swap3A_291], %mul3A_288 {strides = array<i32>} : memref<20000xf32, #tpu.memory_space<vmem>>, vector<16xf32>,
      %add3A_293 = arith.constant 48 : i32
      %add3A_294 = arith.addi %mul3A_251, %add3A_293 : i32
      %get3A_295 = arith.index_cast %add3A_294 : i32 to index
      %get3A_296 = tpu.vector_load %arg6[%get3A_295] {strides = array<i32>} : memref<20000xi32, #tpu.memory_space<vmem>>, vector<16xi32>,
      %add3A_297 = arith.constant 48 : i32
      %add3A_298 = arith.addi %mul3A_251, %add3A_297 : i32
      %get3A_299 = arith.index_cast %add3A_298 : i32 to index
      %get3A_300 = tpu.vector_load %arg8[%get3A_299] {strides = array<i32>} : memref<20000xf32, #tpu.memory_space<vmem>>, vector<16xf32>,
      %gather3A_301 = tpu.vector_load_idx %arg10[%get3A_296] : memref<10240xf32, #tpu.memory_space<vmem>>[vector<16xi32>], vector<16xf32>,
      %mul3A_302 = arith.mulf %get3A_300, %gather3A_301 : vector<16xf32>
      %add3A_303 = arith.constant 48 : i32
      %add3A_304 = arith.addi %mul3A_251, %add3A_303 : i32
      %swap3A_305 = arith.index_cast %add3A_304 : i32 to index
      %swap3A_306 = tpu.vector_load %arg9[%swap3A_305] {strides = array<i32>} : memref<20000xf32, #tpu.memory_space<vmem>>, vector<16xf32>,
      tpu.vector_store %arg9[%swap3A_305], %mul3A_302 {strides = array<i32>} : memref<20000xf32, #tpu.memory_space<vmem>>, vector<16xf32>,
      %add3A_307 = arith.constant 64 : i32
      %add3A_308 = arith.addi %mul3A_251, %add3A_307 : i32
      %get3A_309 = arith.index_cast %add3A_308 : i32 to index
      %get3A_310 = tpu.vector_load %arg6[%get3A_309] {strides = array<i32>} : memref<20000xi32, #tpu.memory_space<vmem>>, vector<16xi32>,
      %add3A_311 = arith.constant 64 : i32
      %add3A_312 = arith.addi %mul3A_251, %add3A_311 : i32
      %get3A_313 = arith.index_cast %add3A_312 : i32 to index
      %get3A_314 = tpu.vector_load %arg8[%get3A_313] {strides = array<i32>} : memref<20000xf32, #tpu.memory_space<vmem>>, vector<16xf32>,
      %gather3A_315 = tpu.vector_load_idx %arg10[%get3A_310] : memref<10240xf32, #tpu.memory_space<vmem>>[vector<16xi32>], vector<16xf32>,
      %mul3A_316 = arith.mulf %get3A_314, %gather3A_315 : vector<16xf32>
      %add3A_317 = arith.constant 64 : i32
      %add3A_318 = arith.addi %mul3A_251, %add3A_317 : i32
      %swap3A_319 = arith.index_cast %add3A_318 : i32 to index
      %swap3A_320 = tpu.vector_load %arg9[%swap3A_319] {strides = array<i32>} : memref<20000xf32, #tpu.memory_space<vmem>>, vector<16xf32>,
      tpu.vector_store %arg9[%swap3A_319], %mul3A_316 {strides = array<i32>} : memref<20000xf32, #tpu.memory_space<vmem>>, vector<16xf32>,
      %add3A_321 = arith.constant 80 : i32
      %add3A_322 = arith.addi %mul3A_251, %add3A_321 : i32
      %get3A_323 = arith.index_cast %add3A_322 : i32 to index
      %get3A_324 = tpu.vector_load %arg6[%get3A_323] {strides = array<i32>} : memref<20000xi32, #tpu.memory_space<vmem>>, vector<16xi32>,
      %add3A_325 = arith.constant 80 : i32
      %add3A_326 = arith.addi %mul3A_251, %add3A_325 : i32
      %get3A_327 = arith.index_cast %add3A_326 : i32 to index
      %get3A_328 = tpu.vector_load %arg8[%get3A_327] {strides = array<i32>} : memref<20000xf32, #tpu.memory_space<vmem>>, vector<16xf32>,
      %gather3A_329 = tpu.vector_load_idx %arg10[%get3A_324] : memref<10240xf32, #tpu.memory_space<vmem>>[vector<16xi32>], vector<16xf32>,
      %mul3A_330 = arith.mulf %get3A_328, %gather3A_329 : vector<16xf32>
      %add3A_331 = arith.constant 80 : i32
      %add3A_332 = arith.addi %mul3A_251, %add3A_331 : i32
      %swap3A_333 = arith.index_cast %add3A_332 : i32 to index
      %swap3A_334 = tpu.vector_load %arg9[%swap3A_333] {strides = array<i32>} : memref<20000xf32, #tpu.memory_space<vmem>>, vector<16xf32>,
      tpu.vector_store %arg9[%swap3A_333], %mul3A_330 {strides = array<i32>} : memref<20000xf32, #tpu.memory_space<vmem>>, vector<16xf32>,
      %add3A_335 = arith.constant 96 : i32
      %add3A_336 = arith.addi %mul3A_251, %add3A_335 : i32
      %get3A_337 = arith.index_cast %add3A_336 : i32 to index
      %get3A_338 = tpu.vector_load %arg6[%get3A_337] {strides = array<i32>} : memref<20000xi32, #tpu.memory_space<vmem>>, vector<16xi32>,
      %add3A_339 = arith.constant 96 : i32
      %add3A_340 = arith.addi %mul3A_251, %add3A_339 : i32
      %get3A_341 = arith.index_cast %add3A_340 : i32 to index
      %get3A_342 = tpu.vector_load %arg8[%get3A_341] {strides = array<i32>} : memref<20000xf32, #tpu.memory_space<vmem>>, vector<16xf32>,
      %gather3A_343 = tpu.vector_load_idx %arg10[%get3A_338] : memref<10240xf32, #tpu.memory_space<vmem>>[vector<16xi32>], vector<16xf32>,
      %mul3A_344 = arith.mulf %get3A_342, %gather3A_343 : vector<16xf32>
      %add3A_345 = arith.constant 96 : i32
      %add3A_346 = arith.addi %mul3A_251, %add3A_345 : i32
      %swap3A_347 = arith.index_cast %add3A_346 : i32 to index
      %swap3A_348 = tpu.vector_load %arg9[%swap3A_347] {strides = array<i32>} : memref<20000xf32, #tpu.memory_space<vmem>>, vector<16xf32>,
      tpu.vector_store %arg9[%swap3A_347], %mul3A_344 {strides = array<i32>} : memref<20000xf32, #tpu.memory_space<vmem>>, vector<16xf32>,
      %add3A_349 = arith.constant 112 : i32
      %add3A_350 = arith.addi %mul3A_251, %add3A_349 : i32
      %get3A_351 = arith.index_cast %add3A_350 : i32 to index
      %get3A_352 = tpu.vector_load %arg6[%get3A_351] {strides = array<i32>} : memref<20000xi32, #tpu.memory_space<vmem>>, vector<16xi32>,
      %add3A_353 = arith.constant 112 : i32
      %add3A_354 = arith.addi %mul3A_251, %add3A_353 : i32
      %get3A_355 = arith.index_cast %add3A_354 : i32 to index
      %get3A_356 = tpu.vector_load %arg8[%get3A_355] {strides = array<i32>} : memref<20000xf32, #tpu.memory_space<vmem>>, vector<16xf32>,
      %gather3A_357 = tpu.vector_load_idx %arg10[%get3A_352] : memref<10240xf32, #tpu.memory_space<vmem>>[vector<16xi32>], vector<16xf32>,
      %mul3A_358 = arith.mulf %get3A_356, %gather3A_357 : vector<16xf32>
      %add3A_359 = arith.constant 112 : i32
      %add3A_360 = arith.addi %mul3A_251, %add3A_359 : i32
      %swap3A_361 = arith.index_cast %add3A_360 : i32 to index
      %swap3A_362 = tpu.vector_load %arg9[%swap3A_361] {strides = array<i32>} : memref<20000xf32, #tpu.memory_space<vmem>>, vector<16xf32>,
      tpu.vector_store %arg9[%swap3A_361], %mul3A_358 {strides = array<i32>} : memref<20000xf32, #tpu.memory_space<vmem>>, vector<16xf32>,
      %dma_start3A_363 = tpu.memref_slice %arg9[%mul3A_251] : memref<20000xf32, #tpu.memory_space<vmem>> -> memref<128xf32, #tpu.memory_space<vmem>>
      %dma_start3A_364 = tpu.memref_slice %arg7[%mul3A_251] : memref<20000xi32, #tpu.memory_space<vmem>> -> memref<128xi32, #tpu.memory_space<vmem>>
      %dma_start3A_365 = arith.constant 0 : i32
      %dma_start3A_366 = tpu.memref_slice %arg13[%dma_start3A_365] : memref<10240xf32, #tpu.memory_space<vmem_shared>> -> memref<10240xf32, #tpu.memory_space<vmem_shared>>
      tpu.enqueue_indirect_dma source(%dma_start3A_363 : memref<128xf32, #tpu.memory_space<vmem>>) target(%dma_start3A_366 : memref<10240xf32, #tpu.memory_space<vmem_shared>>) offsets(%dma_start3A_364 : memref<128xi32, #tpu.memory_space<vmem>>) semaphore(%arg14 : memref<!tpu.dma_semaphore, #tpu.memory_space<semaphore_mem>>) {add = true}
      %scan3A_367 = arith.constant 0 : i32
      scf.yield %scan3A_367 : i32
    }
    %scan3A_207 = arith.constant 156 : i32
    %get3A_208 = arith.constant 19968 : index
    %get3A_209 = tpu.vector_load %arg6[%get3A_208] {strides = array<i32>} : memref<20000xi32, #tpu.memory_space<vmem>>, vector<16xi32>,
    %get3A_210 = arith.constant 19968 : index
    %get3A_211 = tpu.vector_load %arg8[%get3A_210] {strides = array<i32>} : memref<20000xf32, #tpu.memory_space<vmem>>, vector<16xf32>,
    %gather3A_212 = tpu.vector_load_idx %arg10[%get3A_209] : memref<10240xf32, #tpu.memory_space<vmem>>[vector<16xi32>], vector<16xf32>,
    %mul3A_213 = arith.mulf %get3A_211, %gather3A_212 : vector<16xf32>
    %swap3A_214 = arith.constant 19968 : index
    %swap3A_215 = tpu.vector_load %arg9[%swap3A_214] {strides = array<i32>} : memref<20000xf32, #tpu.memory_space<vmem>>, vector<16xf32>,
    tpu.vector_store %arg9[%swap3A_214], %mul3A_213 {strides = array<i32>} : memref<20000xf32, #tpu.memory_space<vmem>>, vector<16xf32>,
    %get3A_216 = arith.constant 19984 : index
    %get3A_217 = tpu.vector_load %arg6[%get3A_216] {strides = array<i32>} : memref<20000xi32, #tpu.memory_space<vmem>>, vector<16xi32>,
    %get3A_218 = arith.constant 19984 : index
    %get3A_219 = tpu.vector_load %arg8[%get3A_218] {strides = array<i32>} : memref<20000xf32, #tpu.memory_space<vmem>>, vector<16xf32>,
    %gather3A_220 = tpu.vector_load_idx %arg10[%get3A_217] : memref<10240xf32, #tpu.memory_space<vmem>>[vector<16xi32>], vector<16xf32>,
    %mul3A_221 = arith.mulf %get3A_219, %gather3A_220 : vector<16xf32>
    %swap3A_222 = arith.constant 19984 : index
    %swap3A_223 = tpu.vector_load %arg9[%swap3A_222] {strides = array<i32>} : memref<20000xf32, #tpu.memory_space<vmem>>, vector<16xf32>,
    tpu.vector_store %arg9[%swap3A_222], %mul3A_221 {strides = array<i32>} : memref<20000xf32, #tpu.memory_space<vmem>>, vector<16xf32>,
    %dma_start3A_224 = arith.constant 19968 : i32
    %dma_start3A_225 = tpu.memref_slice %arg9[%dma_start3A_224] : memref<20000xf32, #tpu.memory_space<vmem>> -> memref<32xf32, #tpu.memory_space<vmem>>
    %dma_start3A_226 = arith.constant 19968 : i32
    %dma_start3A_227 = tpu.memref_slice %arg7[%dma_start3A_226] : memref<20000xi32, #tpu.memory_space<vmem>> -> memref<32xi32, #tpu.memory_space<vmem>>
    %dma_start3A_228 = arith.constant 0 : i32
    %dma_start3A_229 = tpu.memref_slice %arg13[%dma_start3A_228] : memref<10240xf32, #tpu.memory_space<vmem_shared>> -> memref<10240xf32, #tpu.memory_space<vmem_shared>>
    tpu.enqueue_indirect_dma source(%dma_start3A_225 : memref<32xf32, #tpu.memory_space<vmem>>) target(%dma_start3A_229 : memref<10240xf32, #tpu.memory_space<vmem_shared>>) offsets(%dma_start3A_227 : memref<32xi32, #tpu.memory_space<vmem>>) semaphore(%arg14 : memref<!tpu.dma_semaphore, #tpu.memory_space<semaphore_mem>>) {add = true}
    %scan3A_230 = arith.constant 0 : i32
    %scan3A_231 = arith.constant 0 : i32
    %scan3A_232 = arith.constant 156 : i32
    %scan3A_233 = arith.addi %scan3A_231, %scan3A_232 : i32
    %scan3A_234 = arith.constant 1 : i32
    %scan3A_235 = scf.for %scan3A_248 = %scan3A_231 to %scan3A_233 step %scan3A_234 iter_args(%scan3A_249 = %scan3A_230) -> (i32)  : i32 {
      %mul3A_250 = arith.constant 128 : i32
      %mul3A_251 = arith.muli %scan3A_248, %mul3A_250 : i32
      %mul3A_252 = arith.constant 128 : i32
      %mul3A_253 = arith.muli %scan3A_248, %mul3A_252 : i32
      %dma_wait3A_254 = tpu.memref_slice %arg9[%mul3A_251] : memref<20000xf32, #tpu.memory_space<vmem>> -> memref<128xf32, #tpu.memory_space<vmem>>
      %dma_wait3A_255 = tpu.memref_slice %arg7[%mul3A_253] : memref<20000xi32, #tpu.memory_space<vmem>> -> memref<128xi32, #tpu.memory_space<vmem>>
      %dma_wait3A_256 = arith.constant 0 : i32
      %dma_wait3A_257 = tpu.memref_slice %arg13[%dma_wait3A_256] : memref<10240xf32, #tpu.memory_space<vmem_shared>> -> memref<10240xf32, #tpu.memory_space<vmem_shared>>
      tpu.wait_indirect_dma semaphore(%arg14 : memref<!tpu.dma_semaphore, #tpu.memory_space<semaphore_mem>>) src(%dma_wait3A_254 : memref<128xf32, #tpu.memory_space<vmem>>) dst(%dma_wait3A_257 : memref<10240xf32, #tpu.memory_space<vmem_shared>>)
      %scan3A_258 = arith.constant 0 : i32
      scf.yield %scan3A_258 : i32
    }
    %scan3A_236 = arith.constant 156 : i32
    %dma_wait3A_237 = arith.constant 19968 : i32
    %dma_wait3A_238 = tpu.memref_slice %arg9[%dma_wait3A_237] : memref<20000xf32, #tpu.memory_space<vmem>> -> memref<32xf32, #tpu.memory_space<vmem>>
    %dma_wait3A_239 = arith.constant 19968 : i32
    %dma_wait3A_240 = tpu.memref_slice %arg7[%dma_wait3A_239] : memref<20000xi32, #tpu.memory_space<vmem>> -> memref<32xi32, #tpu.memory_space<vmem>>
    %dma_wait3A_241 = arith.constant 0 : i32
    %dma_wait3A_242 = tpu.memref_slice %arg13[%dma_wait3A_241] : memref<10240xf32, #tpu.memory_space<vmem_shared>> -> memref<10240xf32, #tpu.memory_space<vmem_shared>>
    tpu.wait_indirect_dma semaphore(%arg14 : memref<!tpu.dma_semaphore, #tpu.memory_space<semaphore_mem>>) src(%dma_wait3A_238 : memref<32xf32, #tpu.memory_space<vmem>>) dst(%dma_wait3A_242 : memref<10240xf32, #tpu.memory_space<vmem_shared>>)
    %barrier3A_243 = arith.constant 0 : index
    tpu.barrier barrier_id(%barrier3A_243)
    %mul3A_244 = arith.constant 640 : i32
    %mul3A_245 = arith.muli %arg1, %mul3A_244 : i32
    %mul3A_246 = arith.constant 640 : i32
    %mul3A_247 = arith.muli %arg1, %mul3A_246 : i32
    "tpu.region"() ({
      %run_scoped3A_248 = tpu.sem_alloc : memref<!tpu.dma_semaphore, #tpu.memory_space<semaphore_mem>>
      %dma_start3A_249 = tpu.memref_slice %arg5[%mul3A_247] : memref<10240xf32, #tpu.memory_space<hbm>> -> memref<640xf32, #tpu.memory_space<hbm>>
      %dma_start3A_250 = tpu.memref_slice %arg13[%mul3A_245] : memref<10240xf32, #tpu.memory_space<vmem_shared>> -> memref<640xf32, #tpu.memory_space<vmem_shared>>
      tpu.enqueue_dma source(%dma_start3A_250 : memref<640xf32, #tpu.memory_space<vmem_shared>>) target(%dma_start3A_249 : memref<640xf32, #tpu.memory_space<hbm>>) target_semaphore(%run_scoped3A_248 : memref<!tpu.dma_semaphore, #tpu.memory_space<semaphore_mem>>)
      %dma_wait3A_251 = tpu.memref_slice %arg5[%mul3A_247] : memref<10240xf32, #tpu.memory_space<hbm>> -> memref<640xf32, #tpu.memory_space<hbm>>
      %dma_wait3A_252 = tpu.memref_slice %arg13[%mul3A_245] : memref<10240xf32, #tpu.memory_space<vmem_shared>> -> memref<640xf32, #tpu.memory_space<vmem_shared>>
      tpu.wait_dma2 semaphore(%run_scoped3A_248 : memref<!tpu.dma_semaphore, #tpu.memory_space<semaphore_mem>>) src(%dma_wait3A_252 : memref<640xf32, #tpu.memory_space<vmem_shared>>) dst(%dma_wait3A_251 : memref<640xf32, #tpu.memory_space<hbm>>)
      tpu.yield
    }) : () -> ()
    return
  }
}

module attributes {stable_mosaic.version = 14 : i64} {
  func.func @_matvec_body(%arg0: i32, %arg1: memref<1x128xf32, #tpu.memory_space<vmem>>, %arg2: memref<1024x128xf32, #tpu.memory_space<vmem>>, %arg3: memref<1x1024xf32, #tpu.memory_space<vmem>>) attributes {dimension_semantics = [#tpu.dimension_semantics<arbitrary>], iteration_bounds = array<i64: 10>, scalar_prefetch = 0 : i64, scratch_operands = 0 : i64, tpu.core_type = #tpu.core_type<tc>, window_params = [{pipeline_mode = #tpu.pipeline_mode<synchronous>, transform_indices = @transform_0, window_bounds = array<i64: 1, 128>}, {transform_indices = @transform_1, window_bounds = array<i64: 1024, 128>}, {transform_indices = @transform_2, window_bounds = array<i64: 1, 1024>}]} {
    %get3A = arith.constant 0 : index
    %get3A_0 = arith.constant 0 : index
    %get3A_1 = vector.load %arg1[%get3A, %get3A_0] : memref<1x128xf32, #tpu.memory_space<vmem>>, vector<1x128xf32>
    %get3A_2 = arith.constant 0 : index
    %get3A_3 = arith.constant 0 : index
    %get3A_4 = vector.load %arg2[%get3A_2, %get3A_3] : memref<1024x128xf32, #tpu.memory_space<vmem>>, vector<1024x128xf32>
    %dot_general3A = arith.constant dense<0.000000e+00> : vector<1x1024xf32>
    %dot_general3A_5 = tpu.matmul %get3A_1, %get3A_4, %dot_general3A {dimension_numbers = #tpu.dot_dimension_numbers<[1], [1], [0], [0], [0, 0, 1, 0], [], []>, transpose_lhs_hint = false} : vector<1x128xf32>, vector<1024x128xf32>, vector<1x1024xf32> -> vector<1x1024xf32>
    %swap3A = arith.constant 0 : index
    %swap3A_6 = arith.constant 0 : index
    %swap3A_7 = vector.load %arg3[%swap3A, %swap3A_6] : memref<1x1024xf32, #tpu.memory_space<vmem>>, vector<1x1024xf32>
    tpu.vector_store %arg3[%swap3A, %swap3A_6], %dot_general3A_5 {strides = array<i32>} : memref<1x1024xf32, #tpu.memory_space<vmem>>, vector<1x1024xf32>,
    return
  }
  func.func @transform_0(%arg0: i32) -> (i32, i32) {
    %c0_i32 = arith.constant 0 : i32
    %c0_i32_0 = arith.constant 0 : i32
    %c0_i32_1 = arith.constant 0 : i32
    return %c0_i32, %c0_i32_0 : i32, i32
  }
  func.func @transform_1(%arg0: i32) -> (i32, i32) {
    %c0_i32 = arith.constant 0 : i32
    %c0_i32_0 = arith.constant 0 : i32
    return %arg0, %c0_i32 : i32, i32
  }
  func.func @transform_2(%arg0: i32) -> (i32, i32) {
    %c0_i32 = arith.constant 0 : i32
    %c0_i32_0 = arith.constant 0 : i32
    return %c0_i32, %arg0 : i32, i32
  }
}

</mosaic_0001>

<sc_bundles>
// kernel: kernel.4.cloned.1.call-start
scs
__scs_entry_jumppad:
0x0: {  	(pc) =	sbr.rel $0x88, $3  }
0x1: {  	(tag) =	ssettag $0x0;
	lr =	simm.s32 $0x1  }
0x2: {  	[smem:$0x3F9C] =	sst lr;
	_ =	strace $0xD0000000  }
0x3: {  	_ = 	snop  }
0x4: {  	_ = 	snop  }
0x5: {  	_ = 	snop  }
0x6: {  	_ = 	snop  }
0x7: {  	_ = 	snop  }
__scs_overlays_trampoline_lowered:
0x8: {  	[smem:$0x3FAB] =	sst s0  }
0x9: {  	[smem:$0x3FAC] =	sst s1  }
0xa: {  	[smem:$0x3FAD] =	sst s2  }
0xb: {  	[smem:$0x3FAE] =	sst s3  }
0xc: {  	[smem:$0x3FAF] =	sst s4  }
0xd: {  	[smem:$0x3FB0] =	sst s5  }
0xe: {  	[smem:$0x3FB1] =	sst s6  }
0xf: {  	[smem:$0x3FB2] =	sst s7  }
0x10: {  	[smem:$0x3FB3] =	sst s8  }
0x11: {  	[smem:$0x3FB4] =	sst s9;
	s0 =	simm.s32 @!p0 $0x0  }
0x12: {  	s1 =	sld [smem:$0x3F9A];
	s0 =	simm.s32 @p0 $0x1  }
0x13: {  	[smem:$0x3FB5] =	sst s0;
	s0 =	simm.s32 @!p1 $0x0  }
0x14: {  	s2 =	sld [smem:$0x3F99];
	s0 =	simm.s32 @p1 $0x1  }
0x15: {  	[smem:$0x3FB6] =	sst s0;
	s0 =	simm.s32 @!p2 $0x0  }
0x16: {  	s3 =	sld [smem:$0x3FDB];
	s0 =	simm.s32 @p2 $0x1  }
0x17: {  	s4 =	simm.s32 $0x1BF5;
	[smem:$0x3FB8] =	sst s0  }
0x18: {  	s0 =	sld [smem:$0x3F9B];
	_ =	swait.ge [sflag:s4], $0x0  }
0x19: {  	s7 =	sld [smem:$0x3F9C]  }
0x1a: {  	s8 =	sadd.s32 $0xFFFFE003, lr  }
0x1b: {  	s9 =	sadd.s32 $0xFFFFFEF7, lr;
	s5 =	simm.s32 $0xFFFFFFFF;
	p2 =	slt.u32 s8, $0xFFFFF086  }
0x1c: {  	p1 =	slt.u32 s9, $0xF7A;
	s5 =	simm.s32 @!p2 $0x0  }
0x1d: {  	s5 =	simm.s32 @p1 $0x1;
	p0 =	seq.s32 s7, s2  }
0x1e: {  	s7 =	smul.u32 @!p0 $0xF7A, s2;
	p2 =	seq.s32 @!p0 s5, $0x0  }
0x1f: {  	s9 =	smul.u32 $0xF7A, s1;
	s8 =	simm.s32 @!p0 $0x1BF5;
	p2 =	por !p2, p0  }
0x20: {  	[sflag:s8] =	ssyncset.s32 @!p0 $0xFFFFF086;
	s6 =	sadd.s32 @!p0 s3, s7;
	s7 =	simm.s32 @!p0 $0x108  }
0x21: {  	s3 =	sadd.s32 s3, s9;
	s6 =	sadd.s32 @!p0 $0x88, s6;
	s7 =	simm.s32 @p2 $0x1082  }
0x22: {  	[simem:s7], [sflag:s8] =	dma.local @!p0 [hbm:s6], $0xF7A  }
0x23: {  	s9 =	sor.u32 $0xD0000000, s2;
	s6 =	simm.s32 $0x108;
	_ =	swait.ge @!p0 [sflag:s8], $0x0  }
0x24: {  	s3 =	sadd.s32 $0x88, s3;
	s6 =	simm.s32 @!p1 $0x1082;
	[sflag:s4] =	ssyncset.s32 $0xFFFFF086  }
0x25: {  	[simem:s6], [sflag:s4] =	dma.local [hbm:s3], $0xF7A  }
0x26: {  	[smem:$0x3F9C] =	sst s1;
	(tag) =	ssettag s2;
	_ =	strace s9  }
0x27: {  	s1 =	sld [smem:$0x3FAC]  }
0x28: {  	s2 =	sld [smem:$0x3FAD]  }
0x29: {  	s4 =	sld [smem:$0x3FAF]  }
0x2a: {  	p0 =	seq.s32 s5, $0x0;
	s5 =	sld [smem:$0x3FB0]  }
0x2b: {  	s6 =	sld [smem:$0x3FB1]  }
0x2c: {  	s7 =	sld [smem:$0x3FB2]  }
0x2d: {  	s3 =	simm.s32 $0x108;
	s8 =	sld [smem:$0x3FB3]  }
0x2e: {  	s3 =	simm.s32 @!p0 $0x1082;
	s9 =	sld [smem:$0x3FB4]  }
0x2f: {  	lr =	sadd.s32 s0, s3;
	s0 =	sld [smem:$0x3FAB]  }
0x30: {  	s3 =	sld [smem:$0x3FAE]  }
0x31: {  	[smem:$0x3FB7] =	sst s10  }
0x32: {  	s10 =	sld [smem:$0x3FB5];
	_ =	sdelay $0x3  }
0x33: {  	p0 =	seq.s32 s10, $0x1;
	s10 =	sld [smem:$0x3FB7];
	_ =	sdelay $0x3  }
0x34: {  	[smem:$0x3FB7] =	sst s10  }
0x35: {  	s10 =	sld [smem:$0x3FB6];
	_ =	sdelay $0x3  }
0x36: {  	p1 =	seq.s32 s10, $0x1;
	s10 =	sld [smem:$0x3FB7];
	_ =	sdelay $0x3  }
0x37: {  	[smem:$0x3FB7] =	sst s10  }
0x38: {  	s10 =	sld [smem:$0x3FB8]  }
0x39: {  	_ = 	snop;
	(pc) =	sbr.ind lr, $3  }
0x3a: {  	_ = 	snop  }
0x3b: {  	_ = 	snop  }
0x3c: {  	p2 =	seq.s32 s10, $0x1;
	s10 =	sld [smem:$0x3FB7]  }
0x3d: {  	_ =	shalt  }
0x3e: {  	_ =	shalt  }
0x3f: {  	_ =	shalt  }
0x40: {  	_ =	shalt  }
0x41: {  	_ =	shalt  }
0x42: {  	_ =	shalt  }
0x43: {  	_ =	shalt  }
0x44: {  	_ =	shalt  }
0x45: {  	_ =	shalt  }
0x46: {  	_ =	shalt  }
0x47: {  	_ =	shalt  }
0x48: {  	_ =	shalt  }
0x49: {  	_ =	shalt  }
0x4a: {  	_ =	shalt  }
0x4b: {  	_ =	shalt  }
0x4c: {  	_ =	shalt  }
0x4d: {  	_ =	shalt  }
0x4e: {  	_ =	shalt  }
0x4f: {  	_ =	shalt  }
0x50: {  	_ =	shalt  }
0x51: {  	_ =	shalt  }
0x52: {  	_ =	shalt  }
0x53: {  	_ =	shalt  }
0x54: {  	_ =	shalt  }
0x55: {  	_ =	shalt  }
0x56: {  	_ =	shalt  }
0x57: {  	_ =	shalt  }
0x58: {  	_ =	shalt  }
0x59: {  	_ =	shalt  }
0x5a: {  	_ =	shalt  }
0x5b: {  	_ =	shalt  }
0x5c: {  	_ =	shalt  }
0x5d: {  	_ =	shalt  }
0x5e: {  	_ =	shalt  }
0x5f: {  	_ =	shalt  }
0x60: {  	_ =	shalt  }
0x61: {  	_ =	shalt  }
0x62: {  	_ =	shalt  }
0x63: {  	_ =	shalt  }
0x64: {  	_ =	shalt  }
0x65: {  	_ =	shalt  }
0x66: {  	_ =	shalt  }
0x67: {  	_ =	shalt  }
0x68: {  	_ =	shalt  }
0x69: {  	_ =	shalt  }
0x6a: {  	_ =	shalt  }
0x6b: {  	_ =	shalt  }
0x6c: {  	_ =	shalt  }
0x6d: {  	_ =	shalt  }
0x6e: {  	_ =	shalt  }
0x6f: {  	_ =	shalt  }
0x70: {  	_ =	shalt  }
0x71: {  	_ =	shalt  }
0x72: {  	_ =	shalt  }
0x73: {  	_ =	shalt  }
0x74: {  	_ =	shalt  }
0x75: {  	_ =	shalt  }
0x76: {  	_ =	shalt  }
0x77: {  	_ =	shalt  }
0x78: {  	_ =	shalt  }
0x79: {  	_ =	shalt  }
0x7a: {  	_ =	shalt  }
0x7b: {  	_ =	shalt  }
0x7c: {  	_ =	shalt  }
0x7d: {  	_ =	shalt  }
0x7e: {  	_ =	shalt  }
0x7f: {  	_ =	shalt  }
0x80: {  	_ =	shalt  }
0x81: {  	_ =	shalt  }
0x82: {  	_ =	shalt  }
0x83: {  	_ =	shalt  }
0x84: {  	_ =	shalt  }
0x85: {  	_ =	shalt  }
0x86: {  	_ =	shalt  }
0x87: {  	_ =	shalt  }
.Lfunc_end0:
.L_simem_size_0:
called_computation_lowered:
.L_overlay_start_0:
0x88: {  	s0 =	sld [smem:$0x3FD9]  }
0x89: {  	s1 =	sld [smem:$0x3FFE];
	_ =	sdelay $0x3  }
0x8a: {  	s0 =	sadd.s32 s1, s0  }
0x8b: {  	[smem:$0x3FC3] =	sst s0  }
0x8c: {  	_ = 	snop  }
0x8d: {  	(tm) =	ssettm $0x1  }
0x8e: {  	s15 =	sld [smem:$0x3FFB];
	_ =	sdelay $0x3  }
0x8f: {  	_ =	strace s15  }
0x90: {  	s0 =	sld [smem:$0x3FFC];
	_ =	sdelay $0x3  }
0x91: {  	_ =	strace s0  }
0x92: {  	s0 =	sld [smem:$0x3FFD];
	_ =	sdelay $0x3  }
0x93: {  	_ =	strace s0  }
0x94: {  	_ =	strace $0x8FFFFFFF  }
0x95: {  	s16 =	sld [smem:$0x3FDB];
	_ =	sdelay $0x1  }
0x96: {  	s17 =	simm.s32 $_scs_section_size  }
0x97: {  	s2 =	simm.s32 $_size__tile_overlayer_lowered;
	s3 =	simm.s32 $_tile_overlayer_lowered  }
0x98: {  	s20 =	simm.s32 $0x1BFF;
	s19 =	sshll.u32 s3, $0x1;
	s0 =	sadd.s32 s17, s16  }
0x99: {  	s4 =	simm.s32 $0x0;
	s18 =	sshll.u32 s2, $0x1;
	s2 =	sadd.s32 s19, s0  }
0x9a: {  	[timem:s4], [sflag:s20] =	dma.local [hbm:s2], s18  }
0x9b: {  	_ =	swait.ge [sflag:s20], s18  }
0x9c: {  	s1 =	ssub.s32 $0x0, s18;
	[sflag:s20] =	ssyncset.done $0x0  }
0x9d: {  	[sflag:s20] =	ssyncadd.s32 s1;
	_ =	sdelay $0x1  }
0x9e: {  	s21 =	simm.s32 $0x1B8B  }
0x9f: {  	_ =	swait.ge [sflag:s21], $0x1  }
0xa0: {  	[sflag:s21] =	ssyncset.done $0x0  }
0xa1: {  	s23 =	simm.s32 $0x1B8E;
	s22 =	sld [smem:$0x3FFE];
	[sflag:s21] =	ssyncadd.s32 $0xFFFFFFFF  }
0xa2: {  	s24 =	simm.s32 $execute0_lowered;
	[smem:$0x3FD2] =	sst s23  }
0xa3: {  	s2 =	sshll.u32 s24, $0x1;
	_ =	strace $0x80000046;
	[dreg:$0x1] =	wrdreg $0xFFFFFFFF  }
0xa4: {  	s25 =	simm.s32 $_size_execute0_lowered;
	s0 =	sadd.s32 s0, s2;
	[dreg:$0x0] =	wrdreg $0x0  }
0xa5: {  	s2 =	sshll.u32 s25, $0x1;
	[dreg:$0x2] =	wrdreg s0  }
0xa6: {  	[dreg:$0x3] =	wrdreg s2  }
0xa7: {  	[dreg:$0x4] =	wrdreg $0xC0  }
0xa8: {  	_ =	task [dreg:s4], $0x5FFFF  }
0xa9: {  	[dreg:$0x1] =	wrdreg $0xFFFFFFFF  }
0xaa: {  	[dreg:$0x0] =	wrdreg $0x60  }
0xab: {  	[dreg:$0x2] =	wrdreg s22  }
0xac: {  	[dreg:$0x3] =	wrdreg $0x164800  }
0xad: {  	[dreg:$0x4] =	wrdreg $0x167000  }
0xae: {  	[dreg:$0x5] =	wrdreg $0x9  }
0xaf: {  	_ =	task.clear_ibuf [dreg:s4], $0x6FFFF;
	_ =	strace $0x90000046  }
0xb0: {  	s26 =	simm.s32 $0x9;
	_ =	strace $0x80000048  }
0xb1: {  	_ =	swait.ge [sflag:s26], $0x1  }
0xb2: {  	[sflag:s26] =	ssyncadd.s32 $0xFFFFFFFF  }
0xb3: {  	_ =	strace $0x90000048  }
0xb4: {  	_ =	sfence  }
0xb5: {  	s28 =	sld [smem:$0x0];
	_ =	sdelay $0x1  }
0xb6: {  	s29 =	srdreg.scid  }
0xb7: {  	s30 =	sshll.u32 s29, $0xD;
	s31 =	sshrl.u32 s29, $0x2  }
0xb8: {  	s1 =	sand.u32 $0x1, s29;
	s2 =	sand.u32 $0x4000, s30;
	s0 =	sadd.s32 s31, s28  }
0xb9: {  	s1 =	sor.u32 s2, s1;
	s0 =	sshll.u32 s0, $0x11  }
0xba: {  	s0 =	sor.u32 s0, s1  }
0xbb: {  	s0 =	sadd.s32 $0x8F2B, s0  }
0xbc: {  	[sflag:s0] =	ssyncadd.remote.s32 $0x1  }
0xbd: {  	_ =	sfence.sel $0xFFFF  }
0xbe: {  	[dreg:$0x0] =	wrdreg $0xFFFFFFFF;
	(pc) =	sbr.abs _section_cstart, $3  }
0xbf: {  	[dreg:$0x1] =	wrdreg $0xFFFFFFFF  }
0xc0: {  	_ =	task.clear_ibuf [dreg:s4], $0x2FFFF;
	_ =	strace $0x9FFFFFFF  }
0xc1: {  	(tm) =	ssettm $0x7FFFFFFF  }
tec
execute0_lowered:
.L_overlay_start_1:
0x0: {  	(tag) =	ssettag $0x1  }
0x1: {  	s5 =	rddreg [dreg:$0x0];
	s0 =	stileid.u32  }
0x2: {  	s6 =	rddreg [dreg:$0x1];
	s1 =	sshrl.u32 s0, $0x3  }
0x3: {  	s2 =	rddreg [dreg:$0x2];
	s4 =	sshll.u32 s0, $0x7;
	s3 =	smul.u32 $0x27400, s1  }
0x4: {  	s10 =	simm.s32 $0x0;
	s7 =	simm.s32 $0x80;
	s4 =	sand.u32 $0x380, s4  }
0x5: {  	s11 =	simm.s32 $0x400;
	s23 =	simm.s32 $0x2;
	s3 =	sor.u32 s4, s3  }
0x6: {  	[smem:$0x7FF] =	sst s10;
	s22 =	sadd.s32 $0xA00, s5;
	s8 =	sshrl.u32 s3, $0x3  }
0x7: {  	s1 =	rddreg [dreg:$0x3];
	_ =	strace $0x80000047;
	s9 =	sadd.s32 s22, s8  }
0x8: {  	[tilespmem:s10], [sflag:$0x2] =	stream.strided.gather [hbm4b:s9+s7], $0x4E80, s11, s7, $0x38;
	[tilespmem:$0x16980] =	vst v63  }
0x9: {  	s3 =	sadd.s32 $0x4E800, s3;
	_ =	swait.ge [sflag:s23], $0x4E80  }
0xa: {  	s3 =	sshrl.u32 s3, $0x3;
	[sflag:s23] =	ssyncset.done $0x0  }
0xb: {  	s24 =	simm.s32 $0x4E80;
	s3 =	sadd.s32 s22, s3;
	[sflag:s23] =	ssyncadd.s32 $0xFFFFB180  }
0xc: {  	[tilespmem:s24], [sflag:$0x2] =	stream.strided.gather [hbm4b:s3+s7], $0x4E80, s11, s7, $0x38;
	[tilespmem:$0x16980] =	vst v63  }
0xd: {  	_ =	swait.ge [sflag:s23], $0x4E80  }
0xe: {  	s25 =	sadd.s32 s8, s5;
	[sflag:s23] =	ssyncset.done $0x0  }
0xf: {  	s26 =	simm.s32 $0x9D00;
	s3 =	sadd.s32 $0x14400, s25;
	[sflag:s23] =	ssyncadd.s32 $0xFFFFB180  }
0x10: {  	[tilespmem:s26], [sflag:$0x2] =	stream.strided.gather [hbm4b:s3+s7], $0x4E80, s11, s7, $0x38;
	[tilespmem:$0x16980] =	vst v63  }
0x11: {  	_ =	swait.ge [sflag:s23], $0x4E80  }
0x12: {  	[sflag:s23] =	ssyncset.done $0x0  }
0x13: {  	s28 =	sadd.s32 $0x1E200, s5;
	s8 =	simm.s32 $0x13A00;
	[sflag:s23] =	ssyncadd.s32 $0xFFFFB180  }
0x14: {  	[tilespmem:s8], [sflag:$0x2] =	stream.linear.gather [hbm4b:s28+s10], $0x2800, $0x38;
	[tilespmem:$0x16980] =	vst v63  }
0x15: {  	_ =	swait.ge [sflag:s23], $0x2800  }
0x16: {  	[sflag:s23] =	ssyncset.done $0x0  }
0x17: {  	v0 =	vimm.f32 $0.0e+00;
	[sflag:s23] =	ssyncadd.s32 $0xFFFFD800  }
0x18: {  	[tilespmem:$0x16200] =	vst v0  }
0x19: {  	[tilespmem:$0x16210] =	vst v0  }
0x1a: {  	[tilespmem:$0x16220] =	vst v0  }
0x1b: {  	[tilespmem:$0x16230] =	vst v0  }
0x1c: {  	[tilespmem:$0x16240] =	vst v0  }
0x1d: {  	[tilespmem:$0x16250] =	vst v0  }
0x1e: {  	[tilespmem:$0x16260] =	vst v0  }
0x1f: {  	[tilespmem:$0x16270] =	vst v0  }
0x20: {  	[tilespmem:$0x16280] =	vst v0  }
0x21: {  	[tilespmem:$0x16290] =	vst v0  }
0x22: {  	[tilespmem:$0x162A0] =	vst v0  }
0x23: {  	[tilespmem:$0x162B0] =	vst v0  }
0x24: {  	[tilespmem:$0x162C0] =	vst v0  }
0x25: {  	[tilespmem:$0x162D0] =	vst v0  }
0x26: {  	[tilespmem:$0x162E0] =	vst v0  }
0x27: {  	[tilespmem:$0x162F0] =	vst v0  }
0x28: {  	[tilespmem:$0x16300] =	vst v0  }
0x29: {  	[tilespmem:$0x16310] =	vst v0  }
0x2a: {  	[tilespmem:$0x16320] =	vst v0  }
0x2b: {  	[tilespmem:$0x16330] =	vst v0  }
0x2c: {  	[tilespmem:$0x16340] =	vst v0  }
0x2d: {  	[tilespmem:$0x16350] =	vst v0  }
0x2e: {  	[tilespmem:$0x16360] =	vst v0  }
0x2f: {  	[tilespmem:$0x16370] =	vst v0  }
0x30: {  	[tilespmem:$0x16380] =	vst v0  }
0x31: {  	[tilespmem:$0x16390] =	vst v0  }
0x32: {  	[tilespmem:$0x163A0] =	vst v0  }
0x33: {  	[tilespmem:$0x163B0] =	vst v0  }
0x34: {  	[tilespmem:$0x163C0] =	vst v0  }
0x35: {  	[tilespmem:$0x163D0] =	vst v0  }
0x36: {  	[tilespmem:$0x163E0] =	vst v0  }
0x37: {  	[tilespmem:$0x163F0] =	vst v0  }
0x38: {  	[tilespmem:$0x16400] =	vst v0  }
0x39: {  	[tilespmem:$0x16410] =	vst v0  }
0x3a: {  	[tilespmem:$0x16420] =	vst v0  }
0x3b: {  	[tilespmem:$0x16430] =	vst v0  }
0x3c: {  	[tilespmem:$0x16440] =	vst v0  }
0x3d: {  	s3 =	smul.u32 $0x280, s0;
	[tilespmem:$0x16450] =	vst v0  }
0x3e: {  	[tilespmem:$0x16460] =	vst v0  }
0x3f: {  	s30 =	simm.s32 $0x16200;
	s29 =	sadd.s32 s3, s6;
	[tilespmem:$0x16470] =	vst v0  }
0x40: {  	[spmem:s29] =	stream.linear.scatter [tilespmem:s30], [sflag:$0x2], $0x280, $0x38;
	[tilespmem:$0x16980] =	vst v63  }
0x41: {  	_ =	swait.ge [sflag:s23], $0x280  }
0x42: {  	[sflag:s23] =	ssyncset.done $0x0  }
0x43: {  	s4 =	sadd.s32 s3, s2;
	[sflag:s23] =	ssyncadd.s32 $0xFFFFFD80  }
0x44: {  	[spmem:s4] =	stream.linear.scatter [tilespmem:s30], [sflag:$0x2], $0x280, $0x38;
	[tilespmem:$0x16980] =	vst v63  }
0x45: {  	_ =	swait.ge [sflag:s23], $0x280  }
0x46: {  	[sflag:s23] =	ssyncset.done $0x0  }
0x47: {  	[sflag:s23] =	ssyncadd.s32 $0xFFFFFD80  }
0x48: {  	s31 =	simm.s32 $0x0;
	[bflag:$0x0] =	sbarrier.arrive $0xFFFF  }
0x49: {  	v50 =	vld [tilespmem:s31+$0x0];
	_ =	sdelay $0x5  }
0x4a: {  	v1 =	vld [tilespmem:s31+$0x10]  }
0x4b: {  	v2 =	vld [tilespmem:s31+$0x9D00]  }
0x4c: {  	v0 =	vld.idx.msk [tilespmem:v50+s8+$0x0], $0xffff;
	_ =	sdelay $0x4  }
0x4d: {  	v0 =	vmul.f32 v0, v2  }
0x4e: {  	v51 =	vld [tilespmem:s31+$0x20]  }
0x4f: {  	v52 =	vld [tilespmem:s31+$0x9D10];
	[tilespmem:s31+$0xEB80] =	vst v0  }
0x50: {  	v1 =	vld.idx.msk [tilespmem:v1+s8+$0x0], $0xffff;
	_ =	sdelay $0x4  }
0x51: {  	v1 =	vmul.f32 v1, v52  }
0x52: {  	v53 =	vld [tilespmem:s31+$0x30]  }
0x53: {  	v54 =	vld [tilespmem:s31+$0x9D20];
	[tilespmem:s31+$0xEB90] =	vst v1  }
0x54: {  	v0 =	vld.idx.msk [tilespmem:v51+s8+$0x0], $0xffff;
	_ =	sdelay $0x4  }
0x55: {  	v0 =	vmul.f32 v0, v54  }
0x56: {  	v55 =	vld [tilespmem:s31+$0x40]  }
0x57: {  	v56 =	vld [tilespmem:s31+$0x9D30];
	[tilespmem:s31+$0xEBA0] =	vst v0  }
0x58: {  	v1 =	vld.idx.msk [tilespmem:v53+s8+$0x0], $0xffff;
	_ =	sdelay $0x4  }
0x59: {  	v1 =	vmul.f32 v1, v56  }
0x5a: {  	v57 =	vld [tilespmem:s31+$0x50]  }
0x5b: {  	v58 =	vld [tilespmem:s31+$0x9D40];
	[tilespmem:s31+$0xEBB0] =	vst v1  }
0x5c: {  	v0 =	vld.idx.msk [tilespmem:v55+s8+$0x0], $0xffff;
	_ =	sdelay $0x4  }
0x5d: {  	v0 =	vmul.f32 v0, v58  }
0x5e: {  	v59 =	vld [tilespmem:s31+$0x60]  }
0x5f: {  	v60 =	vld [tilespmem:s31+$0x9D50];
	[tilespmem:s31+$0xEBC0] =	vst v0  }
0x60: {  	v1 =	vld.idx.msk [tilespmem:v57+s8+$0x0], $0xffff;
	_ =	sdelay $0x4  }
0x61: {  	v1 =	vmul.f32 v1, v60  }
0x62: {  	v61 =	vld [tilespmem:s31+$0x70]  }
0x63: {  	v62 =	vld [tilespmem:s31+$0x9D60];
	[tilespmem:s31+$0xEBD0] =	vst v1  }
0x64: {  	v0 =	vld.idx.msk [tilespmem:v59+s8+$0x0], $0xffff;
	_ =	sdelay $0x4  }
0x65: {  	v0 =	vmul.f32 v0, v62;
	_ =	sdelay $0x1  }
0x66: {  	v63 =	vld [tilespmem:s31+$0x9D70];
	[tilespmem:s31+$0xEBE0] =	vst v0  }
0x67: {  	v0 =	vld.idx.msk [tilespmem:v61+s8+$0x0], $0xffff;
	_ =	sdelay $0x4  }
0x68: {  	v0 =	vmul.f32 v0, v63  }
0x69: {  	s12 =	simm.s32 $0xEB80;
	s13 =	simm.s32 $0x4E80  }
0x6a: {  	s5 =	sadd.s32 $0x1E800, s5;
	s9 =	simm.s32 $0x80;
	s10 =	simm.s32 $0x400;
	[tilespmem:s31+$0xEBF0] =	vst v0  }
.LBB2_1:
0x6b: {  	[spmem:s6] =	stream.indirect.scatter.add.f32 [tilespmem:s12], [sflag:$0x1], $0x1, s13, s7, $0xb8;
	[tilespmem:$0x16980] =	vst v63  }
0x6c: {  	s11 =	sshra.s32 s10, $0x2;
	p0 =	sne.s32 s10, $0x13600;
	s10 =	sadd.s32 $0x200, s10;
	v0 =	vld [tilespmem:s9+$0x0]  }
0x6d: {  	_ =	sdelay $0x5  }
0x6e: {  	v1 =	vld [tilespmem:s9+$0x10]  }
0x6f: {  	v0 =	vld.idx.msk [tilespmem:v0+s8+$0x0], $0xffff  }
0x70: {  	v2 =	vld [tilespmem:s9+$0x9D00];
	_ =	sdelay $0x4  }
0x71: {  	v0 =	vmul.f32 v0, v2;
	_ =	sdelay $0x1  }
0x72: {  	[tilespmem:s9+$0xEB80] =	vst v0;
	v0 =	vld [tilespmem:s9+$0x20]  }
0x73: {  	v1 =	vld.idx.msk [tilespmem:v1+s8+$0x0], $0xffff  }
0x74: {  	v2 =	vld [tilespmem:s9+$0x9D10];
	_ =	sdelay $0x4  }
0x75: {  	v1 =	vmul.f32 v1, v2;
	_ =	sdelay $0x1  }
0x76: {  	[tilespmem:s9+$0xEB90] =	vst v1;
	v1 =	vld [tilespmem:s9+$0x30]  }
0x77: {  	v0 =	vld.idx.msk [tilespmem:v0+s8+$0x0], $0xffff  }
0x78: {  	v2 =	vld [tilespmem:s9+$0x9D20];
	_ =	sdelay $0x4  }
0x79: {  	v0 =	vmul.f32 v0, v2;
	_ =	sdelay $0x1  }
0x7a: {  	[tilespmem:s9+$0xEBA0] =	vst v0;
	v0 =	vld [tilespmem:s9+$0x40]  }
0x7b: {  	v1 =	vld.idx.msk [tilespmem:v1+s8+$0x0], $0xffff  }
0x7c: {  	v2 =	vld [tilespmem:s9+$0x9D30];
	_ =	sdelay $0x4  }
0x7d: {  	v1 =	vmul.f32 v1, v2;
	_ =	sdelay $0x1  }
0x7e: {  	[tilespmem:s9+$0xEBB0] =	vst v1;
	v1 =	vld [tilespmem:s9+$0x50]  }
0x7f: {  	v0 =	vld.idx.msk [tilespmem:v0+s8+$0x0], $0xffff  }
0x80: {  	v2 =	vld [tilespmem:s9+$0x9D40];
	_ =	sdelay $0x4  }
0x81: {  	v0 =	vmul.f32 v0, v2;
	_ =	sdelay $0x1  }
0x82: {  	[tilespmem:s9+$0xEBC0] =	vst v0;
	v0 =	vld [tilespmem:s9+$0x60]  }
0x83: {  	v1 =	vld.idx.msk [tilespmem:v1+s8+$0x0], $0xffff  }
0x84: {  	v2 =	vld [tilespmem:s9+$0x9D50];
	_ =	sdelay $0x4  }
0x85: {  	v1 =	vmul.f32 v1, v2;
	_ =	sdelay $0x1  }
0x86: {  	[tilespmem:s9+$0xEBD0] =	vst v1;
	v1 =	vld [tilespmem:s9+$0x70]  }
0x87: {  	v0 =	vld.idx.msk [tilespmem:v0+s8+$0x0], $0xffff  }
0x88: {  	v2 =	vld [tilespmem:s9+$0x9D60];
	_ =	sdelay $0x4  }
0x89: {  	v0 =	vmul.f32 v0, v2;
	_ =	sdelay $0x1  }
0x8a: {  	[tilespmem:s9+$0xEBE0] =	vst v0  }
0x8b: {  	v0 =	vld.idx.msk [tilespmem:v1+s8+$0x0], $0xffff  }
0x8c: {  	v1 =	vld [tilespmem:s9+$0x9D70];
	_ =	sdelay $0x2  }
.Ltmp0:
0x8d: {  	(pc) =	sbr.rel @p0 .LBB2_1-.Ltmp0, $3  }
0x8e: {  	_ = 	snop  }
0x8f: {  	v0 =	vmul.f32 v0, v1;
	_ =	sdelay $0x1  }
0x90: {  	s12 =	sadd.s32 $0xEB80, s9;
	s13 =	sadd.s32 $0x4E80, s9;
	[tilespmem:s9+$0xEBF0] =	vst v0;
	s9 =	smov.u32 s11  }
0x91: {  	[spmem:s6] =	stream.indirect.scatter.add.f32 [tilespmem:s12], [sflag:$0x1], $0x1, s13, s7, $0xb8;
	[tilespmem:$0x16980] =	vst v63  }
0x92: {  	v0 =	vld [tilespmem:s9+$0x0];
	_ =	sdelay $0x5  }
0x93: {  	v1 =	vld [tilespmem:s9+$0x10]  }
0x94: {  	v2 =	vld [tilespmem:s9+$0x9D00]  }
0x95: {  	v0 =	vld.idx.msk [tilespmem:v0+s8+$0x0], $0xffff;
	_ =	sdelay $0x4  }
0x96: {  	v0 =	vmul.f32 v0, v2  }
0x97: {  	v44 =	vld [tilespmem:s9+$0x9D10]  }
0x98: {  	v45 =	vld [tilespmem:s9+$0x20];
	[tilespmem:s9+$0xEB80] =	vst v0  }
0x99: {  	v0 =	vld.idx.msk [tilespmem:v1+s8+$0x0], $0xffff;
	_ =	sdelay $0x4  }
0x9a: {  	v0 =	vmul.f32 v0, v44  }
0x9b: {  	v46 =	vld [tilespmem:s9+$0x30]  }
0x9c: {  	v48 =	vld [tilespmem:s9+$0x9D20];
	[tilespmem:s9+$0xEB90] =	vst v0  }
0x9d: {  	v47 =	vld.idx.msk [tilespmem:v45+s8+$0x0], $0xffff;
	_ =	sdelay $0x4  }
0x9e: {  	v1 =	vmul.f32 v47, v48  }
0x9f: {  	v49 =	vld [tilespmem:s9+$0x9D30]  }
0xa0: {  	v50 =	vld [tilespmem:s9+$0x40];
	[tilespmem:s9+$0xEBA0] =	vst v1  }
0xa1: {  	v0 =	vld.idx.msk [tilespmem:v46+s8+$0x0], $0xffff;
	_ =	sdelay $0x4  }
0xa2: {  	v0 =	vmul.f32 v0, v49  }
0xa3: {  	v51 =	vld [tilespmem:s9+$0x50]  }
0xa4: {  	v53 =	vld [tilespmem:s9+$0x9D40];
	[tilespmem:s9+$0xEBB0] =	vst v0  }
0xa5: {  	v52 =	vld.idx.msk [tilespmem:v50+s8+$0x0], $0xffff;
	_ =	sdelay $0x4  }
0xa6: {  	v1 =	vmul.f32 v52, v53  }
0xa7: {  	v54 =	vld [tilespmem:s9+$0x9D50]  }
0xa8: {  	v55 =	vld [tilespmem:s9+$0x60];
	[tilespmem:s9+$0xEBC0] =	vst v1  }
0xa9: {  	v0 =	vld.idx.msk [tilespmem:v51+s8+$0x0], $0xffff;
	_ =	sdelay $0x4  }
0xaa: {  	v0 =	vmul.f32 v0, v54  }
0xab: {  	v56 =	vld [tilespmem:s9+$0x70]  }
0xac: {  	v58 =	vld [tilespmem:s9+$0x9D60];
	[tilespmem:s9+$0xEBD0] =	vst v0  }
0xad: {  	v57 =	vld.idx.msk [tilespmem:v55+s8+$0x0], $0xffff;
	_ =	sdelay $0x4  }
0xae: {  	v1 =	vmul.f32 v57, v58;
	_ =	sdelay $0x1  }
0xaf: {  	v59 =	vld [tilespmem:s9+$0x9D70];
	[tilespmem:s9+$0xEBE0] =	vst v1  }
0xb0: {  	v0 =	vld.idx.msk [tilespmem:v56+s8+$0x0], $0xffff;
	_ =	sdelay $0x4  }
0xb1: {  	v0 =	vmul.f32 v0, v59;
	_ =	sdelay $0x1  }
0xb2: {  	s25 =	sadd.s32 $0xEB80, s9;
	s26 =	sadd.s32 $0x4E80, s9;
	[tilespmem:s9+$0xEBF0] =	vst v0  }
0xb3: {  	[spmem:s6] =	stream.indirect.scatter.add.f32 [tilespmem:s25], [sflag:$0x1], $0x1, s26, s7, $0xb8;
	[tilespmem:$0x16980] =	vst v63  }
0xb4: {  	v0 =	vld [tilespmem:$0x4E00];
	_ =	sdelay $0x5  }
0xb5: {  	v60 =	vld [tilespmem:$0xEB00]  }
0xb6: {  	s28 =	simm.s32 $0x13A00;
	v61 =	vld [tilespmem:$0x4E10]  }
0xb7: {  	v0 =	vld.idx.msk [tilespmem:v0+s28+$0x0], $0xffff;
	_ =	sdelay $0x4  }
0xb8: {  	v0 =	vmul.f32 v0, v60;
	_ =	sdelay $0x1  }
0xb9: {  	v62 =	vld [tilespmem:$0xEB10];
	[tilespmem:$0x13980] =	vst v0  }
0xba: {  	v63 =	vld.idx.msk [tilespmem:v61+s28+$0x0], $0xffff;
	_ =	sdelay $0x4  }
0xbb: {  	v0 =	vmul.f32 v63, v62  }
0xbc: {  	s29 =	simm.s32 $0x20  }
0xbd: {  	s30 =	simm.s32 $0x9C80;
	s31 =	simm.s32 $0x13980;
	s7 =	simm.s32 $0x1;
	[tilespmem:$0x13990] =	vst v0  }
0xbe: {  	[spmem:s6] =	stream.indirect.scatter.add.f32 [tilespmem:s31], [sflag:$0x1], $0x1, s30, s29, $0xb8;
	[tilespmem:$0x16980] =	vst v63  }
0xbf: {  	_ =	swait.ge [sflag:s7], $0x80  }
0xc0: {  	s8 =	simm.s32 $0x9B;
	[sflag:s7] =	ssyncset.done $0x0  }
.LBB2_3:
0xc1: {  	p0 =	sne.s32 s8, $0x1;
	s8 =	sadd.s32 $0xFFFFFFFF, s8;
	[sflag:s7] =	ssyncadd.s32 $0xFFFFFF80  }
.Ltmp1:
0xc2: {  	(pc) =	sbr.rel @p0 .LBB2_3-.Ltmp1, $3  }
0xc3: {  	_ =	sdelay $0x1  }
0xc4: {  	_ =	swait.ge [sflag:s7], $0x80  }
0xc5: {  	[sflag:s7] =	ssyncset.done $0x0  }
0xc6: {  	[sflag:s7] =	ssyncadd.s32 $0xFFFFFF80;
	s30 =	simm.s32 $0x1  }
0xc7: {  	_ =	swait.ge [sflag:s30], $0x20  }
0xc8: {  	[sflag:s30] =	ssyncset.done $0x0  }
0xc9: {  	[sflag:s30] =	ssyncadd.s32 $0xFFFFFFE0  }
0xca: {  	s7 =	simm.s32 $0x13A00;
	s31 =	simm.s32 $0x2;
	[bflag:$0x0] =	sbarrier.arrive $0xFFFF  }
0xcb: {  	[tilespmem:s7], [sflag:$0x2] =	stream.linear.gather [spmem:s6], $0x2800, $0x38;
	[tilespmem:$0x16980] =	vst v63  }
0xcc: {  	_ =	swait.ge [sflag:s31], $0x2800  }
0xcd: {  	[sflag:s31] =	ssyncset.done $0x0  }
0xce: {  	s10 =	simm.s32 $0x0;
	[sflag:s31] =	ssyncadd.s32 $0xFFFFD800  }
0xcf: {  	v0 =	vld [tilespmem:s10+$0x0];
	_ =	sdelay $0x5  }
0xd0: {  	v1 =	vld [tilespmem:s10+$0x10]  }
0xd1: {  	v2 =	vld [tilespmem:s10+$0x9D00]  }
0xd2: {  	v0 =	vld.idx.msk [tilespmem:v0+s7+$0x0], $0xffff;
	_ =	sdelay $0x4  }
0xd3: {  	v0 =	vmul.f32 v0, v2  }
0xd4: {  	v51 =	vld [tilespmem:s10+$0x20]  }
0xd5: {  	v52 =	vld [tilespmem:s10+$0x9D10];
	[tilespmem:s10+$0xEB80] =	vst v0  }
0xd6: {  	v1 =	vld.idx.msk [tilespmem:v1+s7+$0x0], $0xffff;
	_ =	sdelay $0x4  }
0xd7: {  	v1 =	vmul.f32 v1, v52  }
0xd8: {  	v53 =	vld [tilespmem:s10+$0x30]  }
0xd9: {  	v54 =	vld [tilespmem:s10+$0x9D20];
	[tilespmem:s10+$0xEB90] =	vst v1  }
0xda: {  	v0 =	vld.idx.msk [tilespmem:v51+s7+$0x0], $0xffff;
	_ =	sdelay $0x4  }
0xdb: {  	v0 =	vmul.f32 v0, v54  }
0xdc: {  	v55 =	vld [tilespmem:s10+$0x40]  }
0xdd: {  	v56 =	vld [tilespmem:s10+$0x9D30];
	[tilespmem:s10+$0xEBA0] =	vst v0  }
0xde: {  	v1 =	vld.idx.msk [tilespmem:v53+s7+$0x0], $0xffff;
	_ =	sdelay $0x4  }
0xdf: {  	v1 =	vmul.f32 v1, v56  }
0xe0: {  	v57 =	vld [tilespmem:s10+$0x50]  }
0xe1: {  	v58 =	vld [tilespmem:s10+$0x9D40];
	[tilespmem:s10+$0xEBB0] =	vst v1  }
0xe2: {  	v0 =	vld.idx.msk [tilespmem:v55+s7+$0x0], $0xffff;
	_ =	sdelay $0x4  }
0xe3: {  	v0 =	vmul.f32 v0, v58  }
0xe4: {  	v59 =	vld [tilespmem:s10+$0x60]  }
0xe5: {  	v60 =	vld [tilespmem:s10+$0x9D50];
	[tilespmem:s10+$0xEBC0] =	vst v0  }
0xe6: {  	v1 =	vld.idx.msk [tilespmem:v57+s7+$0x0], $0xffff;
	_ =	sdelay $0x4  }
0xe7: {  	v1 =	vmul.f32 v1, v60  }
0xe8: {  	v61 =	vld [tilespmem:s10+$0x70]  }
0xe9: {  	v62 =	vld [tilespmem:s10+$0x9D60];
	[tilespmem:s10+$0xEBD0] =	vst v1  }
0xea: {  	v0 =	vld.idx.msk [tilespmem:v59+s7+$0x0], $0xffff;
	_ =	sdelay $0x4  }
0xeb: {  	v0 =	vmul.f32 v0, v62;
	_ =	sdelay $0x1  }
0xec: {  	v63 =	vld [tilespmem:s10+$0x9D70];
	[tilespmem:s10+$0xEBE0] =	vst v0  }
0xed: {  	v0 =	vld.idx.msk [tilespmem:v61+s7+$0x0], $0xffff;
	_ =	sdelay $0x4  }
0xee: {  	v0 =	vmul.f32 v0, v63  }
0xef: {  	s8 =	simm.s32 $0x80;
	s9 =	simm.s32 $0x400  }
0xf0: {  	s11 =	simm.s32 $0xEB80;
	s12 =	simm.s32 $0x4E80;
	s6 =	simm.s32 $0x80;
	[tilespmem:s10+$0xEBF0] =	vst v0  }
.LBB2_5:
0xf1: {  	[spmem:s2] =	stream.indirect.scatter.add.f32 [tilespmem:s11], [sflag:$0x1], $0x1, s12, s6, $0xb8;
	[tilespmem:$0x16980] =	vst v63  }
0xf2: {  	s10 =	sshra.s32 s9, $0x2;
	p0 =	sne.s32 s9, $0x13600;
	s9 =	sadd.s32 $0x200, s9;
	v0 =	vld [tilespmem:s8+$0x0]  }
0xf3: {  	_ =	sdelay $0x5  }
0xf4: {  	v1 =	vld [tilespmem:s8+$0x10]  }
0xf5: {  	v0 =	vld.idx.msk [tilespmem:v0+s7+$0x0], $0xffff  }
0xf6: {  	v2 =	vld [tilespmem:s8+$0x9D00];
	_ =	sdelay $0x4  }
0xf7: {  	v0 =	vmul.f32 v0, v2;
	_ =	sdelay $0x1  }
0xf8: {  	[tilespmem:s8+$0xEB80] =	vst v0;
	v0 =	vld [tilespmem:s8+$0x20]  }
0xf9: {  	v1 =	vld.idx.msk [tilespmem:v1+s7+$0x0], $0xffff  }
0xfa: {  	v2 =	vld [tilespmem:s8+$0x9D10];
	_ =	sdelay $0x4  }
0xfb: {  	v1 =	vmul.f32 v1, v2;
	_ =	sdelay $0x1  }
0xfc: {  	[tilespmem:s8+$0xEB90] =	vst v1;
	v1 =	vld [tilespmem:s8+$0x30]  }
0xfd: {  	v0 =	vld.idx.msk [tilespmem:v0+s7+$0x0], $0xffff  }
0xfe: {  	v2 =	vld [tilespmem:s8+$0x9D20];
	_ =	sdelay $0x4  }
0xff: {  	v0 =	vmul.f32 v0, v2;
	_ =	sdelay $0x1  }
0x100: {  	[tilespmem:s8+$0xEBA0] =	vst v0;
	v0 =	vld [tilespmem:s8+$0x40]  }
0x101: {  	v1 =	vld.idx.msk [tilespmem:v1+s7+$0x0], $0xffff  }
0x102: {  	v2 =	vld [tilespmem:s8+$0x9D30];
	_ =	sdelay $0x4  }
0x103: {  	v1 =	vmul.f32 v1, v2;
	_ =	sdelay $0x1  }
0x104: {  	[tilespmem:s8+$0xEBB0] =	vst v1;
	v1 =	vld [tilespmem:s8+$0x50]  }
0x105: {  	v0 =	vld.idx.msk [tilespmem:v0+s7+$0x0], $0xffff  }
0x106: {  	v2 =	vld [tilespmem:s8+$0x9D40];
	_ =	sdelay $0x4  }
0x107: {  	v0 =	vmul.f32 v0, v2;
	_ =	sdelay $0x1  }
0x108: {  	[tilespmem:s8+$0xEBC0] =	vst v0;
	v0 =	vld [tilespmem:s8+$0x60]  }
0x109: {  	v1 =	vld.idx.msk [tilespmem:v1+s7+$0x0], $0xffff  }
0x10a: {  	v2 =	vld [tilespmem:s8+$0x9D50];
	_ =	sdelay $0x4  }
0x10b: {  	v1 =	vmul.f32 v1, v2;
	_ =	sdelay $0x1  }
0x10c: {  	[tilespmem:s8+$0xEBD0] =	vst v1;
	v1 =	vld [tilespmem:s8+$0x70]  }
0x10d: {  	v0 =	vld.idx.msk [tilespmem:v0+s7+$0x0], $0xffff  }
0x10e: {  	v2 =	vld [tilespmem:s8+$0x9D60];
	_ =	sdelay $0x4  }
0x10f: {  	v0 =	vmul.f32 v0, v2;
	_ =	sdelay $0x1  }
0x110: {  	[tilespmem:s8+$0xEBE0] =	vst v0  }
0x111: {  	v0 =	vld.idx.msk [tilespmem:v1+s7+$0x0], $0xffff  }
0x112: {  	v1 =	vld [tilespmem:s8+$0x9D70];
	_ =	sdelay $0x2  }
.Ltmp2:
0x113: {  	(pc) =	sbr.rel @p0 .LBB2_5-.Ltmp2, $3  }
0x114: {  	_ = 	snop  }
0x115: {  	v0 =	vmul.f32 v0, v1;
	_ =	sdelay $0x1  }
0x116: {  	s11 =	sadd.s32 $0xEB80, s8;
	s12 =	sadd.s32 $0x4E80, s8;
	[tilespmem:s8+$0xEBF0] =	vst v0;
	s8 =	smov.u32 s10  }
0x117: {  	[spmem:s2] =	stream.indirect.scatter.add.f32 [tilespmem:s11], [sflag:$0x1], $0x1, s12, s6, $0xb8;
	[tilespmem:$0x16980] =	vst v63  }
0x118: {  	v0 =	vld [tilespmem:s8+$0x0];
	_ =	sdelay $0x5  }
0x119: {  	v1 =	vld [tilespmem:s8+$0x10]  }
0x11a: {  	v2 =	vld [tilespmem:s8+$0x9D00]  }
0x11b: {  	v0 =	vld.idx.msk [tilespmem:v0+s7+$0x0], $0xffff;
	_ =	sdelay $0x4  }
0x11c: {  	v0 =	vmul.f32 v0, v2  }
0x11d: {  	v44 =	vld [tilespmem:s8+$0x9D10]  }
0x11e: {  	v45 =	vld [tilespmem:s8+$0x20];
	[tilespmem:s8+$0xEB80] =	vst v0  }
0x11f: {  	v0 =	vld.idx.msk [tilespmem:v1+s7+$0x0], $0xffff;
	_ =	sdelay $0x4  }
0x120: {  	v0 =	vmul.f32 v0, v44  }
0x121: {  	v46 =	vld [tilespmem:s8+$0x30]  }
0x122: {  	v48 =	vld [tilespmem:s8+$0x9D20];
	[tilespmem:s8+$0xEB90] =	vst v0  }
0x123: {  	v47 =	vld.idx.msk [tilespmem:v45+s7+$0x0], $0xffff;
	_ =	sdelay $0x4  }
0x124: {  	v1 =	vmul.f32 v47, v48  }
0x125: {  	v49 =	vld [tilespmem:s8+$0x9D30]  }
0x126: {  	v50 =	vld [tilespmem:s8+$0x40];
	[tilespmem:s8+$0xEBA0] =	vst v1  }
0x127: {  	v0 =	vld.idx.msk [tilespmem:v46+s7+$0x0], $0xffff;
	_ =	sdelay $0x4  }
0x128: {  	v0 =	vmul.f32 v0, v49  }
0x129: {  	v51 =	vld [tilespmem:s8+$0x50]  }
0x12a: {  	v53 =	vld [tilespmem:s8+$0x9D40];
	[tilespmem:s8+$0xEBB0] =	vst v0  }
0x12b: {  	v52 =	vld.idx.msk [tilespmem:v50+s7+$0x0], $0xffff;
	_ =	sdelay $0x4  }
0x12c: {  	v1 =	vmul.f32 v52, v53  }
0x12d: {  	v54 =	vld [tilespmem:s8+$0x9D50]  }
0x12e: {  	v55 =	vld [tilespmem:s8+$0x60];
	[tilespmem:s8+$0xEBC0] =	vst v1  }
0x12f: {  	v0 =	vld.idx.msk [tilespmem:v51+s7+$0x0], $0xffff;
	_ =	sdelay $0x4  }
0x130: {  	v0 =	vmul.f32 v0, v54  }
0x131: {  	v56 =	vld [tilespmem:s8+$0x70]  }
0x132: {  	v58 =	vld [tilespmem:s8+$0x9D60];
	[tilespmem:s8+$0xEBD0] =	vst v0  }
0x133: {  	v57 =	vld.idx.msk [tilespmem:v55+s7+$0x0], $0xffff;
	_ =	sdelay $0x4  }
0x134: {  	v1 =	vmul.f32 v57, v58;
	_ =	sdelay $0x1  }
0x135: {  	v59 =	vld [tilespmem:s8+$0x9D70];
	[tilespmem:s8+$0xEBE0] =	vst v1  }
0x136: {  	v0 =	vld.idx.msk [tilespmem:v56+s7+$0x0], $0xffff;
	_ =	sdelay $0x4  }
0x137: {  	v0 =	vmul.f32 v0, v59;
	_ =	sdelay $0x1  }
0x138: {  	s25 =	sadd.s32 $0xEB80, s8;
	s26 =	sadd.s32 $0x4E80, s8;
	[tilespmem:s8+$0xEBF0] =	vst v0  }
0x139: {  	[spmem:s2] =	stream.indirect.scatter.add.f32 [tilespmem:s25], [sflag:$0x1], $0x1, s26, s6, $0xb8;
	[tilespmem:$0x16980] =	vst v63  }
0x13a: {  	v0 =	vld [tilespmem:$0x4E00];
	_ =	sdelay $0x5  }
0x13b: {  	v60 =	vld [tilespmem:$0xEB00]  }
0x13c: {  	s28 =	simm.s32 $0x13A00;
	v61 =	vld [tilespmem:$0x4E10]  }
0x13d: {  	v0 =	vld.idx.msk [tilespmem:v0+s28+$0x0], $0xffff;
	_ =	sdelay $0x4  }
0x13e: {  	v0 =	vmul.f32 v0, v60;
	_ =	sdelay $0x1  }
0x13f: {  	v62 =	vld [tilespmem:$0xEB10];
	[tilespmem:$0x13980] =	vst v0  }
0x140: {  	v63 =	vld.idx.msk [tilespmem:v61+s28+$0x0], $0xffff;
	_ =	sdelay $0x4  }
0x141: {  	v0 =	vmul.f32 v63, v62;
	_ =	sdelay $0x1  }
0x142: {  	s29 =	simm.s32 $0x20;
	s30 =	simm.s32 $0x9C80;
	s31 =	simm.s32 $0x13980;
	[tilespmem:$0x13990] =	vst v0  }
0x143: {  	[spmem:s2] =	stream.indirect.scatter.add.f32 [tilespmem:s31], [sflag:$0x1], $0x1, s30, s29, $0xb8;
	[tilespmem:$0x16980] =	vst v63  }
0x144: {  	s2 =	simm.s32 $0x1  }
0x145: {  	_ =	swait.ge [sflag:s2], $0x80  }
0x146: {  	s6 =	simm.s32 $0x9B;
	[sflag:s2] =	ssyncset.done $0x0  }
.LBB2_7:
0x147: {  	p0 =	sne.s32 s6, $0x1;
	s6 =	sadd.s32 $0xFFFFFFFF, s6;
	[sflag:s2] =	ssyncadd.s32 $0xFFFFFF80  }
.Ltmp3:
0x148: {  	(pc) =	sbr.rel @p0 .LBB2_7-.Ltmp3, $3  }
0x149: {  	_ =	sdelay $0x1  }
0x14a: {  	_ =	swait.ge [sflag:s2], $0x80  }
0x14b: {  	[sflag:s2] =	ssyncset.done $0x0  }
0x14c: {  	[sflag:s2] =	ssyncadd.s32 $0xFFFFFF80;
	s29 =	simm.s32 $0x1  }
0x14d: {  	_ =	swait.ge [sflag:s29], $0x20  }
0x14e: {  	s3 =	sshrl.u32 s3, $0x3;
	s30 =	sshll.u32 s0, $0x6;
	[sflag:s29] =	ssyncset.done $0x0  }
0x14f: {  	s4 =	sshrl.u32 s4, $0x3;
	s31 =	simm.s32 $0x2;
	[sflag:s29] =	ssyncadd.s32 $0xFFFFFFE0  }
0x150: {  	s3 =	sadd.s32 s5, s3;
	s2 =	sor.u32 $0x1C02, s30;
	[bflag:$0x0] =	sbarrier.arrive $0xFFFF  }
0x151: {  	[hbm:s3], [sflag:s2] =	dma.local [spmem:s4], $0x50  }
0x152: {  	_ =	swait.ge [sflag:s31], $0x50  }
0x153: {  	[sflag:s31] =	ssyncset.done $0x0  }
0x154: {  	[sflag:s31] =	ssyncadd.s32 $0xFFFFFFB0  }
0x155: {  	_ =	sfence.sel $0x180000  }
0x156: {  	[bflag:$0x0] =	sbarrier.arrive $0xFFFF  }
0x157: {  	p0 =	sne.s32 s0, $0x0;
	_ =	strace $0x90000047  }
0x158: {  	s0 =	sadd.s32 @!p0 $0x100000, s1;
	[bflag:$0x2] =	sbarrier.arrive $0xFFFF  }
0x159: {  	[sflag:s0] =	ssyncadd.tile.s32 @!p0 $0x1;
	_ =	shalt  }
.Lfunc_end2:
_tile_overlayer_lowered:
.L_overlay_start_2:
0x15a: {  	(tag) =	ssettag $0x2  }
0x15b: {  	s0 =	rddreg [dreg:$0x0];
	s2 =	stileid.u32  }
0x15c: {  	s1 =	rddreg [dreg:$0x1];
	p0 =	sne.s32 s2, $0x0  }
0x15d: {  	s3 =	rddreg [dreg:$0x2];
	[bflag:$0x3] =	sbarrier.arrive $0xFFFF;
	s2 =	simm.s32 @!p0 $0x1C02  }
0x15e: {  	[timem:s3], [sflag:s2] =	dma.local @!p0 [hbm:s0], s1  }
0x15f: {  	s0 =	simm.s32 @!p0 $0x2  }
0x160: {  	_ =	swait.ge @!p0 [sflag:s0], s1  }
0x161: {  	s1 =	ssub.s32 @!p0 $0x0, s1;
	[sflag:s0] =	ssyncset.done @!p0 $0x0  }
0x162: {  	[sflag:s0] =	ssyncadd.s32 @!p0 s1  }
0x163: {  	[bflag:$0x3] =	sbarrier.arrive $0xFFFF  }
0x164: {  	_ =	shalt  }

</sc_bundles>
